<compile_context>
chip_gen: v7x
topology: tpu7x:2x2x1
jax: 0.10.2.dev20260603
libtpu: 0.0.44.dev20260713+nightly
codegen_flags: <defaults>
</compile_context>

<pallas_src>
import functools

import jax
import jax.numpy as jnp
from jax import lax
from jax.experimental import pallas as pl
from jax.experimental.pallas import tpu as pltpu
from jax.experimental.pallas import tpu_sc as plsc

N_NODES = 10000
N_EDGES = 320000
D = 128

NC = 2
NS = 16
NW = NC * NS
E_PER_TILE = N_EDGES // NW
CHUNK = 128
N_FULL = E_PER_TILE // CHUNK
TAIL = E_PER_TILE - N_FULL * CHUNK
ACC_ROWS = 10240
ROWS_PER_TILE = ACC_ROWS // NS
ZROWS = 64
WROWS = 128


def _mm_combine_body(p_ref, q_ref, w_ref, b_ref, o_ref):
    o_ref[...] = jnp.dot(p_ref[0] + q_ref[0], w_ref[...],
                         preferred_element_type=jnp.float32) + b_ref[...]


def _sc_body(support_hbm, dst_hbm, src_hbm, out_hbm,
             srcA0, srcA1, dstA0, dstA1, srcB0, srcB1, dstB0, dstB1,
             srcT, dstT, bufA, bufB, bufT, zbuf_v,
             acc_sh, semA, semB, semIA, semIB):
    c = lax.axis_index("c")
    s = lax.axis_index("s")
    wid = c * NS + s

    ebase = wid * E_PER_TILE

    def make_slot(offs, srcP, dstP, buf, semG, semI):
        def islice(k):
            return pl.ds(ebase + (2 * k + offs) * CHUNK, CHUNK)

        def pre_idx(k, p):
            pltpu.async_copy(src_hbm.at[islice(k)], srcP[p], semI)
            pltpu.async_copy(dst_hbm.at[islice(k)], dstP[p], semI)

        def wait_idx(k, p):
            pltpu.make_async_copy(src_hbm.at[islice(k)], srcP[p], semI).wait()
            pltpu.make_async_copy(dst_hbm.at[islice(k)], dstP[p], semI).wait()

        def gather(p):
            pltpu.async_copy(support_hbm.at[srcP[p]], buf, semG)

        def wait_g(p):
            pltpu.make_async_copy(support_hbm.at[srcP[p]], buf, semG).wait()

        def scatter(p):
            pltpu.sync_copy(buf, acc_sh.at[dstP[p]], add=True)

        def prologue():
            pre_idx(0, 0)
            pre_idx(1, 1)
            wait_idx(0, 0)
            gather(0)

        def step(k, p):
            wait_g(p)
            scatter(p)
            wait_idx(k + 1, 1 - p)
            gather(1 - p)
            pre_idx(k + 2, p)

        def fin():
            wait_g(1)
            scatter(1)
            wait_idx(38, 0)
            gather(0)
            wait_g(0)
            scatter(0)

        return prologue, step, fin

    proA, stepA, finA = make_slot(0, (srcA0, srcA1), (dstA0, dstA1),
                                  bufA, semA, semIA)
    proB, stepB, finB = make_slot(1, (srcB0, srcB1), (dstB0, dstB1),
                                  bufB, semB, semIB)

    proA()
    proB()

    zero16 = jnp.zeros((16,), jnp.float32)

    def zstore(i, carry):
        zbuf_v[i // 8, pl.ds((i % 8) * 16, 16)] = zero16
        return carry

    lax.fori_loop(0, ZROWS * (D // 16), zstore, 0)
    for t in range(ROWS_PER_TILE // ZROWS):
        pltpu.sync_copy(zbuf_v,
                        acc_sh.at[pl.ds(s * ROWS_PER_TILE + t * ZROWS, ZROWS)])
    plsc.subcore_barrier()

    def pipe_body(r, carry):
        k = 2 * r
        stepA(k, 0)
        stepB(k, 0)
        stepA(k + 1, 1)
        stepB(k + 1, 1)
        return carry

    lax.fori_loop(0, 18, pipe_body, 0)
    stepA(36, 0)
    stepB(36, 0)
    finA()
    finB()

    pltpu.sync_copy(src_hbm.at[pl.ds(ebase + N_FULL * CHUNK, TAIL)], srcT)
    pltpu.sync_copy(dst_hbm.at[pl.ds(ebase + N_FULL * CHUNK, TAIL)], dstT)
    pltpu.async_copy(support_hbm.at[srcT], bufT, semA).wait()
    pltpu.sync_copy(bufT, acc_sh.at[dstT], add=True)
    plsc.subcore_barrier()

    cps = []
    for t in range(ROWS_PER_TILE // WROWS):
        r = s * ROWS_PER_TILE + t * WROWS
        cps.append(pltpu.async_copy(acc_sh.at[pl.ds(r, WROWS)],
                                    out_hbm.at[pl.ds(c * ACC_ROWS + r, WROWS)],
                                    semA))
    for cp in cps:
        cp.wait()


_sc_aggregate = functools.partial(
    pl.kernel,
    out_type=jax.ShapeDtypeStruct((NC * ACC_ROWS, D), jnp.float32),
    mesh=plsc.VectorSubcoreMesh(core_axis_name="c", subcore_axis_name="s"),
    scratch_types=[
        pltpu.VMEM((CHUNK,), jnp.int32),
        pltpu.VMEM((CHUNK,), jnp.int32),
        pltpu.VMEM((CHUNK,), jnp.int32),
        pltpu.VMEM((CHUNK,), jnp.int32),
        pltpu.VMEM((CHUNK,), jnp.int32),
        pltpu.VMEM((CHUNK,), jnp.int32),
        pltpu.VMEM((CHUNK,), jnp.int32),
        pltpu.VMEM((CHUNK,), jnp.int32),
        pltpu.VMEM((TAIL,), jnp.int32),
        pltpu.VMEM((TAIL,), jnp.int32),
        pltpu.VMEM((CHUNK, D), jnp.float32),
        pltpu.VMEM((CHUNK, D), jnp.float32),
        pltpu.VMEM((TAIL, D), jnp.float32),
        pltpu.VMEM((ZROWS, D), jnp.float32),
        pltpu.VMEM_SHARED((ACC_ROWS, D), jnp.float32),
        pltpu.SemaphoreType.DMA,
        pltpu.SemaphoreType.DMA,
        pltpu.SemaphoreType.DMA,
        pltpu.SemaphoreType.DMA,
    ],
)(_sc_body)


@jax.jit
def kernel(input, edge_index, W, b):
    ei = edge_index.astype(jnp.int32)
    dst = ei[0]
    src = ei[1]

    partial = _sc_aggregate(input, dst, src)

    partial3 = partial.reshape(NC, ACC_ROWS, D)
    out = pl.pallas_call(
        _mm_combine_body,
        grid=(10,),
        in_specs=[
            pl.BlockSpec((1, 1000, D), lambda i: (0, i, 0)),
            pl.BlockSpec((1, 1000, D), lambda i: (1, i, 0)),
            pl.BlockSpec((D, D), lambda i: (0, 0)),
            pl.BlockSpec((1, D), lambda i: (0, 0)),
        ],
        out_specs=pl.BlockSpec((1000, D), lambda i: (i, 0)),
        out_shape=jax.ShapeDtypeStruct((N_NODES, D), jnp.float32),
    )(partial3, partial3, W, b.reshape(1, D))
    return out

# --- scband reference (transcript-rebuilt; emitter-appended) ---
"""Pipeline reference for scband-graph-convolution-layer-22333829940072 (READ-ONLY COPY).

The authoritative reference and input builder live on the scoring server;
editing this copy changes nothing except your own understanding.
"""

import jax, jax.numpy as jnp
import numpy as np

N_NODES = 10000
N_EDGES = 320000
IN_FEATURES = 128
OUT_FEATURES = 128


def setup_inputs(seed: int = 0) -> dict:
    key = jax.random.key(seed)
    k1, k2, k3, k4 = jax.random.split(key, 4)
    x = jax.random.normal(k1, (N_NODES, IN_FEATURES), dtype=jnp.float32)
    edge_index = jax.random.randint(k2, (2, N_EDGES), 0, N_NODES, dtype=jnp.int64)
    # Glorot-style init for the learned weight, matching nn.Parameter usage
    stdv = 1.0 / np.sqrt(OUT_FEATURES)
    W = jax.random.uniform(k3, (IN_FEATURES, OUT_FEATURES), dtype=jnp.float32, minval=-stdv, maxval=stdv)
    b = jax.random.uniform(k4, (OUT_FEATURES,), dtype=jnp.float32, minval=-stdv, maxval=stdv)
    return {"input": x, "edge_index": edge_index, "W": W, "b": b}


def reference(input, edge_index, W, b):
    # support = input @ W  (dense matmul)
    support = jnp.dot(input, W)
    # output = spmm(adj, support) with a binary adjacency given as edge_index[2, E]:
    # adj[dst, src] = 1, so output[dst] = sum over incoming edges of support[src].
    dst = edge_index[0]
    src = edge_index[1]
    msgs = jnp.take(support, src, axis=0)                 # gather  [E, out]
    output = jax.ops.segment_sum(msgs, dst, num_segments=N_NODES)  # scatter-add
    return output + b

if __name__ == "__main__":
    import jax
    _d = setup_inputs()
    print(jax.jit(kernel)(*tuple(_d.values())))

</pallas_src>

<mosaic_0001>
#map = affine_map<(d0, d1) -> (0, 0)>
#map1 = affine_map<(d0, d1) -> (0)>
module attributes {stable_mosaic.version = 14 : i64} {
  func.func @_sc_body(%arg0: i32, %arg1: i32, %arg2: memref<10000x128xf32, #tpu.memory_space<hbm>>, %arg3: memref<320000xi32, #tpu.memory_space<hbm>>, %arg4: memref<320000xi32, #tpu.memory_space<hbm>>, %arg5: memref<20480x128xf32, #tpu.memory_space<hbm>>, %arg6: memref<128xi32, #tpu.memory_space<vmem>>, %arg7: memref<128xi32, #tpu.memory_space<vmem>>, %arg8: memref<128xi32, #tpu.memory_space<vmem>>, %arg9: memref<128xi32, #tpu.memory_space<vmem>>, %arg10: memref<128xi32, #tpu.memory_space<vmem>>, %arg11: memref<128xi32, #tpu.memory_space<vmem>>, %arg12: memref<128xi32, #tpu.memory_space<vmem>>, %arg13: memref<128xi32, #tpu.memory_space<vmem>>, %arg14: memref<16xi32, #tpu.memory_space<vmem>>, %arg15: memref<16xi32, #tpu.memory_space<vmem>>, %arg16: memref<128x128xf32, #tpu.memory_space<vmem>>, %arg17: memref<128x128xf32, #tpu.memory_space<vmem>>, %arg18: memref<16x128xf32, #tpu.memory_space<vmem>>, %arg19: memref<64x128xf32, #tpu.memory_space<vmem>>, %arg20: memref<10240x128xf32, #tpu.memory_space<vmem_shared>>, %arg21: memref<!tpu.dma_semaphore, #tpu.memory_space<semaphore_mem>>, %arg22: memref<!tpu.dma_semaphore, #tpu.memory_space<semaphore_mem>>, %arg23: memref<!tpu.dma_semaphore, #tpu.memory_space<semaphore_mem>>, %arg24: memref<!tpu.dma_semaphore, #tpu.memory_space<semaphore_mem>>) attributes {dimension_semantics = [#tpu.dimension_semantics<core_parallel>, #tpu.dimension_semantics<subcore_parallel>], iteration_bounds = array<i64: 2, 16>, scalar_prefetch = 0 : i64, scratch_operands = 19 : i64, tpu.core_type = #tpu.core_type<sc_vector_subcore>, window_params = [{transform_indices = #map}, {transform_indices = #map1}, {transform_indices = #map1}, {transform_indices = #map}]} {
    %mul3A = arith.constant 16 : i32
    %mul3A_0 = arith.muli %arg0, %mul3A : i32
    %add3A = arith.addi %mul3A_0, %arg1 : i32
    %mul3A_1 = arith.constant 10000 : i32
    %mul3A_2 = arith.muli %add3A, %mul3A_1 : i32
    %add3A_3 = arith.constant 0 : i32
    %add3A_4 = arith.addi %mul3A_2, %add3A_3 : i32
    %dma_start3A = tpu.memref_slice %arg4[%add3A_4] : memref<320000xi32, #tpu.memory_space<hbm>> -> memref<128xi32, #tpu.memory_space<hbm>>
    %dma_start3A_5 = tpu.memref_slice %arg4[%add3A_4] : memref<320000xi32, #tpu.memory_space<hbm>> -> memref<128xi32, #tpu.memory_space<hbm>>
    tpu.enqueue_dma source(%dma_start3A_5 : memref<128xi32, #tpu.memory_space<hbm>>) target(%arg6 : memref<128xi32, #tpu.memory_space<vmem>>) target_semaphore(%arg23 : memref<!tpu.dma_semaphore, #tpu.memory_space<semaphore_mem>>)
    %add3A_6 = arith.constant 0 : i32
    %add3A_7 = arith.addi %mul3A_2, %add3A_6 : i32
    %dma_start3A_8 = tpu.memref_slice %arg3[%add3A_7] : memref<320000xi32, #tpu.memory_space<hbm>> -> memref<128xi32, #tpu.memory_space<hbm>>
    %dma_start3A_9 = tpu.memref_slice %arg3[%add3A_7] : memref<320000xi32, #tpu.memory_space<hbm>> -> memref<128xi32, #tpu.memory_space<hbm>>
    tpu.enqueue_dma source(%dma_start3A_9 : memref<128xi32, #tpu.memory_space<hbm>>) target(%arg8 : memref<128xi32, #tpu.memory_space<vmem>>) target_semaphore(%arg23 : memref<!tpu.dma_semaphore, #tpu.memory_space<semaphore_mem>>)
    %add3A_10 = arith.constant 256 : i32
    %add3A_11 = arith.addi %mul3A_2, %add3A_10 : i32
    %dma_start3A_12 = tpu.memref_slice %arg4[%add3A_11] : memref<320000xi32, #tpu.memory_space<hbm>> -> memref<128xi32, #tpu.memory_space<hbm>>
    %dma_start3A_13 = tpu.memref_slice %arg4[%add3A_11] : memref<320000xi32, #tpu.memory_space<hbm>> -> memref<128xi32, #tpu.memory_space<hbm>>
    tpu.enqueue_dma source(%dma_start3A_13 : memref<128xi32, #tpu.memory_space<hbm>>) target(%arg7 : memref<128xi32, #tpu.memory_space<vmem>>) target_semaphore(%arg23 : memref<!tpu.dma_semaphore, #tpu.memory_space<semaphore_mem>>)
    %add3A_14 = arith.constant 256 : i32
    %add3A_15 = arith.addi %mul3A_2, %add3A_14 : i32
    %dma_start3A_16 = tpu.memref_slice %arg3[%add3A_15] : memref<320000xi32, #tpu.memory_space<hbm>> -> memref<128xi32, #tpu.memory_space<hbm>>
    %dma_start3A_17 = tpu.memref_slice %arg3[%add3A_15] : memref<320000xi32, #tpu.memory_space<hbm>> -> memref<128xi32, #tpu.memory_space<hbm>>
    tpu.enqueue_dma source(%dma_start3A_17 : memref<128xi32, #tpu.memory_space<hbm>>) target(%arg9 : memref<128xi32, #tpu.memory_space<vmem>>) target_semaphore(%arg23 : memref<!tpu.dma_semaphore, #tpu.memory_space<semaphore_mem>>)
    %add3A_18 = arith.constant 0 : i32
    %add3A_19 = arith.addi %mul3A_2, %add3A_18 : i32
    %dma_wait3A = tpu.memref_slice %arg4[%add3A_19] : memref<320000xi32, #tpu.memory_space<hbm>> -> memref<128xi32, #tpu.memory_space<hbm>>
    %dma_wait3A_20 = tpu.memref_slice %arg4[%add3A_19] : memref<320000xi32, #tpu.memory_space<hbm>> -> memref<128xi32, #tpu.memory_space<hbm>>
    tpu.wait_dma2 semaphore(%arg23 : memref<!tpu.dma_semaphore, #tpu.memory_space<semaphore_mem>>) src(%dma_wait3A_20 : memref<128xi32, #tpu.memory_space<hbm>>) dst(%arg6 : memref<128xi32, #tpu.memory_space<vmem>>)
    %add3A_21 = arith.constant 0 : i32
    %add3A_22 = arith.addi %mul3A_2, %add3A_21 : i32
    %dma_wait3A_23 = tpu.memref_slice %arg3[%add3A_22] : memref<320000xi32, #tpu.memory_space<hbm>> -> memref<128xi32, #tpu.memory_space<hbm>>
    %dma_wait3A_24 = tpu.memref_slice %arg3[%add3A_22] : memref<320000xi32, #tpu.memory_space<hbm>> -> memref<128xi32, #tpu.memory_space<hbm>>
    tpu.wait_dma2 semaphore(%arg23 : memref<!tpu.dma_semaphore, #tpu.memory_space<semaphore_mem>>) src(%dma_wait3A_24 : memref<128xi32, #tpu.memory_space<hbm>>) dst(%arg8 : memref<128xi32, #tpu.memory_space<vmem>>)
    %dma_start3A_25 = arith.constant 0 : i32
    %dma_start3A_26 = arith.constant 0 : i32
    %dma_start3A_27 = tpu.memref_slice %arg2[%dma_start3A_25, %dma_start3A_26] : memref<10000x128xf32, #tpu.memory_space<hbm>> -> memref<10000x128xf32, #tpu.memory_space<hbm>>
    tpu.enqueue_indirect_dma source(%dma_start3A_27 : memref<10000x128xf32, #tpu.memory_space<hbm>>) target(%arg16 : memref<128x128xf32, #tpu.memory_space<vmem>>) offsets(%arg6 : memref<128xi32, #tpu.memory_space<vmem>>) semaphore(%arg21 : memref<!tpu.dma_semaphore, #tpu.memory_space<semaphore_mem>>)
    %add3A_28 = arith.constant 128 : i32
    %add3A_29 = arith.addi %mul3A_2, %add3A_28 : i32
    %dma_start3A_30 = tpu.memref_slice %arg4[%add3A_29] : memref<320000xi32, #tpu.memory_space<hbm>> -> memref<128xi32, #tpu.memory_space<hbm>>
    %dma_start3A_31 = tpu.memref_slice %arg4[%add3A_29] : memref<320000xi32, #tpu.memory_space<hbm>> -> memref<128xi32, #tpu.memory_space<hbm>>
    tpu.enqueue_dma source(%dma_start3A_31 : memref<128xi32, #tpu.memory_space<hbm>>) target(%arg10 : memref<128xi32, #tpu.memory_space<vmem>>) target_semaphore(%arg24 : memref<!tpu.dma_semaphore, #tpu.memory_space<semaphore_mem>>)
    %add3A_32 = arith.constant 128 : i32
    %add3A_33 = arith.addi %mul3A_2, %add3A_32 : i32
    %dma_start3A_34 = tpu.memref_slice %arg3[%add3A_33] : memref<320000xi32, #tpu.memory_space<hbm>> -> memref<128xi32, #tpu.memory_space<hbm>>
    %dma_start3A_35 = tpu.memref_slice %arg3[%add3A_33] : memref<320000xi32, #tpu.memory_space<hbm>> -> memref<128xi32, #tpu.memory_space<hbm>>
    tpu.enqueue_dma source(%dma_start3A_35 : memref<128xi32, #tpu.memory_space<hbm>>) target(%arg12 : memref<128xi32, #tpu.memory_space<vmem>>) target_semaphore(%arg24 : memref<!tpu.dma_semaphore, #tpu.memory_space<semaphore_mem>>)
    %add3A_36 = arith.constant 384 : i32
    %add3A_37 = arith.addi %mul3A_2, %add3A_36 : i32
    %dma_start3A_38 = tpu.memref_slice %arg4[%add3A_37] : memref<320000xi32, #tpu.memory_space<hbm>> -> memref<128xi32, #tpu.memory_space<hbm>>
    %dma_start3A_39 = tpu.memref_slice %arg4[%add3A_37] : memref<320000xi32, #tpu.memory_space<hbm>> -> memref<128xi32, #tpu.memory_space<hbm>>
    tpu.enqueue_dma source(%dma_start3A_39 : memref<128xi32, #tpu.memory_space<hbm>>) target(%arg11 : memref<128xi32, #tpu.memory_space<vmem>>) target_semaphore(%arg24 : memref<!tpu.dma_semaphore, #tpu.memory_space<semaphore_mem>>)
    %add3A_40 = arith.constant 384 : i32
    %add3A_41 = arith.addi %mul3A_2, %add3A_40 : i32
    %dma_start3A_42 = tpu.memref_slice %arg3[%add3A_41] : memref<320000xi32, #tpu.memory_space<hbm>> -> memref<128xi32, #tpu.memory_space<hbm>>
    %dma_start3A_43 = tpu.memref_slice %arg3[%add3A_41] : memref<320000xi32, #tpu.memory_space<hbm>> -> memref<128xi32, #tpu.memory_space<hbm>>
    tpu.enqueue_dma source(%dma_start3A_43 : memref<128xi32, #tpu.memory_space<hbm>>) target(%arg13 : memref<128xi32, #tpu.memory_space<vmem>>) target_semaphore(%arg24 : memref<!tpu.dma_semaphore, #tpu.memory_space<semaphore_mem>>)
    %add3A_44 = arith.constant 128 : i32
    %add3A_45 = arith.addi %mul3A_2, %add3A_44 : i32
    %dma_wait3A_46 = tpu.memref_slice %arg4[%add3A_45] : memref<320000xi32, #tpu.memory_space<hbm>> -> memref<128xi32, #tpu.memory_space<hbm>>
    %dma_wait3A_47 = tpu.memref_slice %arg4[%add3A_45] : memref<320000xi32, #tpu.memory_space<hbm>> -> memref<128xi32, #tpu.memory_space<hbm>>
    tpu.wait_dma2 semaphore(%arg24 : memref<!tpu.dma_semaphore, #tpu.memory_space<semaphore_mem>>) src(%dma_wait3A_47 : memref<128xi32, #tpu.memory_space<hbm>>) dst(%arg10 : memref<128xi32, #tpu.memory_space<vmem>>)
    %add3A_48 = arith.constant 128 : i32
    %add3A_49 = arith.addi %mul3A_2, %add3A_48 : i32
    %dma_wait3A_50 = tpu.memref_slice %arg3[%add3A_49] : memref<320000xi32, #tpu.memory_space<hbm>> -> memref<128xi32, #tpu.memory_space<hbm>>
    %dma_wait3A_51 = tpu.memref_slice %arg3[%add3A_49] : memref<320000xi32, #tpu.memory_space<hbm>> -> memref<128xi32, #tpu.memory_space<hbm>>
    tpu.wait_dma2 semaphore(%arg24 : memref<!tpu.dma_semaphore, #tpu.memory_space<semaphore_mem>>) src(%dma_wait3A_51 : memref<128xi32, #tpu.memory_space<hbm>>) dst(%arg12 : memref<128xi32, #tpu.memory_space<vmem>>)
    %dma_start3A_52 = arith.constant 0 : i32
    %dma_start3A_53 = arith.constant 0 : i32
    %dma_start3A_54 = tpu.memref_slice %arg2[%dma_start3A_52, %dma_start3A_53] : memref<10000x128xf32, #tpu.memory_space<hbm>> -> memref<10000x128xf32, #tpu.memory_space<hbm>>
    tpu.enqueue_indirect_dma source(%dma_start3A_54 : memref<10000x128xf32, #tpu.memory_space<hbm>>) target(%arg17 : memref<128x128xf32, #tpu.memory_space<vmem>>) offsets(%arg10 : memref<128xi32, #tpu.memory_space<vmem>>) semaphore(%arg22 : memref<!tpu.dma_semaphore, #tpu.memory_space<semaphore_mem>>)
    %broadcast_in_dim3A = arith.constant 0.000000e+00 : f32
    %broadcast_in_dim3A_55 = vector.broadcast %broadcast_in_dim3A : f32 to vector<16xf32>
    %scan3A = arith.constant 0 : i32
    %scan3A_56 = arith.constant 0 : i32
    %scan3A_57 = arith.constant 512 : i32
    %scan3A_58 = arith.addi %scan3A_56, %scan3A_57 : i32
    %scan3A_59 = arith.constant 1 : i32
    scf.for %scan3A_271 = %scan3A_56 to %scan3A_58 step %scan3A_59  : i32 {
      %jit3A = arith.constant 8 : i32
      %div3A = arith.divsi %scan3A_271, %jit3A : i32
      %sign3A = arith.constant 0 : i32
      %sign3A_272 = arith.cmpi sgt, %scan3A_271, %sign3A : i32
      %sign3A_273 = arith.extui %sign3A_272 : i1 to i32
      %sign3A_274 = arith.constant 0 : i32
      %sign3A_275 = arith.cmpi slt, %scan3A_271, %sign3A_274 : i32
      %sign3A_276 = arith.extui %sign3A_275 : i1 to i32
      %sign3A_277 = arith.subi %sign3A_273, %sign3A_276 : i32
      %sign3A_278 = arith.constant 0 : i32
      %sign3A_279 = arith.cmpi sgt, %jit3A, %sign3A_278 : i32
      %sign3A_280 = arith.extui %sign3A_279 : i1 to i32
      %sign3A_281 = arith.constant 0 : i32
      %sign3A_282 = arith.cmpi slt, %jit3A, %sign3A_281 : i32
      %sign3A_283 = arith.extui %sign3A_282 : i1 to i32
      %sign3A_284 = arith.subi %sign3A_280, %sign3A_283 : i32
      %ne3A = arith.cmpi ne, %sign3A_277, %sign3A_284 : i32
      %rem3A = arith.remsi %scan3A_271, %jit3A : i32
      %ne3A_285 = arith.constant 0 : i32
      %ne3A_286 = arith.cmpi ne, %rem3A, %ne3A_285 : i32
      %and3A = arith.andi %ne3A, %ne3A_286 : i1
      %sub3A = arith.constant 1 : i32
      %sub3A_287 = arith.subi %div3A, %sub3A : i32
      %select_n3A = arith.select %and3A, %sub3A_287, %div3A : i32
      %jit3A_288 = arith.constant 8 : i32
      %eq3A = arith.constant 0 : i32
      %eq3A_289 = arith.cmpi eq, %jit3A_288, %eq3A : i32
      %jit3A_290 = arith.constant 1 : i32
      %select_n3A_291 = arith.select %eq3A_289, %jit3A_290, %jit3A_288 : i32
      %rem3A_292 = arith.remsi %scan3A_271, %select_n3A_291 : i32
      %ne3A_293 = arith.constant 0 : i32
      %ne3A_294 = arith.cmpi ne, %rem3A_292, %ne3A_293 : i32
      %lt3A = arith.constant 0 : i32
      %lt3A_295 = arith.cmpi slt, %rem3A_292, %lt3A : i32
      %lt3A_296 = arith.constant 0 : i32
      %lt3A_297 = arith.cmpi slt, %select_n3A_291, %lt3A_296 : i32
      %ne3A_298 = arith.xori %lt3A_295, %lt3A_297 : i1
      %and3A_299 = arith.andi %ne3A_298, %ne3A_294 : i1
      %add3A_300 = arith.addi %rem3A_292, %select_n3A_291 : i32
      %select_n3A_301 = arith.select %and3A_299, %add3A_300, %rem3A_292 : i32
      %mul3A_302 = arith.constant 16 : i32
      %mul3A_303 = arith.muli %select_n3A_301, %mul3A_302 : i32
      %swap3A = arith.index_cast %select_n3A : i32 to index
      %swap3A_304 = arith.index_cast %mul3A_303 : i32 to index
      %swap3A_305 = tpu.vector_load %arg19[%swap3A, %swap3A_304] {strides = array<i32>} : memref<64x128xf32, #tpu.memory_space<vmem>>, vector<1x16xf32>,
      %swap3A_306 = vector.shape_cast %swap3A_305 : vector<1x16xf32> to vector<16xf32>
      %swap3A_307 = vector.shape_cast %broadcast_in_dim3A_55 : vector<16xf32> to vector<1x16xf32>
      tpu.vector_store %arg19[%swap3A, %swap3A_304], %swap3A_307 {strides = array<i32>} : memref<64x128xf32, #tpu.memory_space<vmem>>, vector<1x16xf32>,
    }
    %scan3A_60 = arith.constant 512 : i32
    %mul3A_61 = arith.constant 640 : i32
    %mul3A_62 = arith.muli %arg1, %mul3A_61 : i32
    %add3A_63 = arith.constant 0 : i32
    %add3A_64 = arith.addi %mul3A_62, %add3A_63 : i32
    "tpu.region"() ({
      %run_scoped3A = tpu.sem_alloc : memref<!tpu.dma_semaphore, #tpu.memory_space<semaphore_mem>>
      %dma_start3A_271 = arith.constant 0 : i32
      %dma_start3A_272 = tpu.memref_slice %arg20[%add3A_64, %dma_start3A_271] : memref<10240x128xf32, #tpu.memory_space<vmem_shared>> -> memref<64x128xf32, #tpu.memory_space<vmem_shared>>
      %dma_start3A_273 = arith.constant 0 : i32
      %dma_start3A_274 = tpu.memref_slice %arg20[%add3A_64, %dma_start3A_273] : memref<10240x128xf32, #tpu.memory_space<vmem_shared>> -> memref<64x128xf32, #tpu.memory_space<vmem_shared>>
      tpu.enqueue_dma source(%arg19 : memref<64x128xf32, #tpu.memory_space<vmem>>) target(%dma_start3A_274 : memref<64x128xf32, #tpu.memory_space<vmem_shared>>) target_semaphore(%run_scoped3A : memref<!tpu.dma_semaphore, #tpu.memory_space<semaphore_mem>>)
      %dma_wait3A_275 = arith.constant 0 : i32
      %dma_wait3A_276 = tpu.memref_slice %arg20[%add3A_64, %dma_wait3A_275] : memref<10240x128xf32, #tpu.memory_space<vmem_shared>> -> memref<64x128xf32, #tpu.memory_space<vmem_shared>>
      %dma_wait3A_277 = arith.constant 0 : i32
      %dma_wait3A_278 = tpu.memref_slice %arg20[%add3A_64, %dma_wait3A_277] : memref<10240x128xf32, #tpu.memory_space<vmem_shared>> -> memref<64x128xf32, #tpu.memory_space<vmem_shared>>
      tpu.wait_dma2 semaphore(%run_scoped3A : memref<!tpu.dma_semaphore, #tpu.memory_space<semaphore_mem>>) src(%arg19 : memref<64x128xf32, #tpu.memory_space<vmem>>) dst(%dma_wait3A_278 : memref<64x128xf32, #tpu.memory_space<vmem_shared>>)
      tpu.yield
    }) : () -> ()
    %mul3A_65 = arith.constant 640 : i32
    %mul3A_66 = arith.muli %arg1, %mul3A_65 : i32
    %add3A_67 = arith.constant 64 : i32
    %add3A_68 = arith.addi %mul3A_66, %add3A_67 : i32
    "tpu.region"() ({
      %run_scoped3A = tpu.sem_alloc : memref<!tpu.dma_semaphore, #tpu.memory_space<semaphore_mem>>
      %dma_start3A_271 = arith.constant 0 : i32
      %dma_start3A_272 = tpu.memref_slice %arg20[%add3A_68, %dma_start3A_271] : memref<10240x128xf32, #tpu.memory_space<vmem_shared>> -> memref<64x128xf32, #tpu.memory_space<vmem_shared>>
      %dma_start3A_273 = arith.constant 0 : i32
      %dma_start3A_274 = tpu.memref_slice %arg20[%add3A_68, %dma_start3A_273] : memref<10240x128xf32, #tpu.memory_space<vmem_shared>> -> memref<64x128xf32, #tpu.memory_space<vmem_shared>>
      tpu.enqueue_dma source(%arg19 : memref<64x128xf32, #tpu.memory_space<vmem>>) target(%dma_start3A_274 : memref<64x128xf32, #tpu.memory_space<vmem_shared>>) target_semaphore(%run_scoped3A : memref<!tpu.dma_semaphore, #tpu.memory_space<semaphore_mem>>)
      %dma_wait3A_275 = arith.constant 0 : i32
      %dma_wait3A_276 = tpu.memref_slice %arg20[%add3A_68, %dma_wait3A_275] : memref<10240x128xf32, #tpu.memory_space<vmem_shared>> -> memref<64x128xf32, #tpu.memory_space<vmem_shared>>
      %dma_wait3A_277 = arith.constant 0 : i32
      %dma_wait3A_278 = tpu.memref_slice %arg20[%add3A_68, %dma_wait3A_277] : memref<10240x128xf32, #tpu.memory_space<vmem_shared>> -> memref<64x128xf32, #tpu.memory_space<vmem_shared>>
      tpu.wait_dma2 semaphore(%run_scoped3A : memref<!tpu.dma_semaphore, #tpu.memory_space<semaphore_mem>>) src(%arg19 : memref<64x128xf32, #tpu.memory_space<vmem>>) dst(%dma_wait3A_278 : memref<64x128xf32, #tpu.memory_space<vmem_shared>>)
      tpu.yield
    }) : () -> ()
    %mul3A_69 = arith.constant 640 : i32
    %mul3A_70 = arith.muli %arg1, %mul3A_69 : i32
    %add3A_71 = arith.constant 128 : i32
    %add3A_72 = arith.addi %mul3A_70, %add3A_71 : i32
    "tpu.region"() ({
      %run_scoped3A = tpu.sem_alloc : memref<!tpu.dma_semaphore, #tpu.memory_space<semaphore_mem>>
      %dma_start3A_271 = arith.constant 0 : i32
      %dma_start3A_272 = tpu.memref_slice %arg20[%add3A_72, %dma_start3A_271] : memref<10240x128xf32, #tpu.memory_space<vmem_shared>> -> memref<64x128xf32, #tpu.memory_space<vmem_shared>>
      %dma_start3A_273 = arith.constant 0 : i32
      %dma_start3A_274 = tpu.memref_slice %arg20[%add3A_72, %dma_start3A_273] : memref<10240x128xf32, #tpu.memory_space<vmem_shared>> -> memref<64x128xf32, #tpu.memory_space<vmem_shared>>
      tpu.enqueue_dma source(%arg19 : memref<64x128xf32, #tpu.memory_space<vmem>>) target(%dma_start3A_274 : memref<64x128xf32, #tpu.memory_space<vmem_shared>>) target_semaphore(%run_scoped3A : memref<!tpu.dma_semaphore, #tpu.memory_space<semaphore_mem>>)
      %dma_wait3A_275 = arith.constant 0 : i32
      %dma_wait3A_276 = tpu.memref_slice %arg20[%add3A_72, %dma_wait3A_275] : memref<10240x128xf32, #tpu.memory_space<vmem_shared>> -> memref<64x128xf32, #tpu.memory_space<vmem_shared>>
      %dma_wait3A_277 = arith.constant 0 : i32
      %dma_wait3A_278 = tpu.memref_slice %arg20[%add3A_72, %dma_wait3A_277] : memref<10240x128xf32, #tpu.memory_space<vmem_shared>> -> memref<64x128xf32, #tpu.memory_space<vmem_shared>>
      tpu.wait_dma2 semaphore(%run_scoped3A : memref<!tpu.dma_semaphore, #tpu.memory_space<semaphore_mem>>) src(%arg19 : memref<64x128xf32, #tpu.memory_space<vmem>>) dst(%dma_wait3A_278 : memref<64x128xf32, #tpu.memory_space<vmem_shared>>)
      tpu.yield
    }) : () -> ()
    %mul3A_73 = arith.constant 640 : i32
    %mul3A_74 = arith.muli %arg1, %mul3A_73 : i32
    %add3A_75 = arith.constant 192 : i32
    %add3A_76 = arith.addi %mul3A_74, %add3A_75 : i32
    "tpu.region"() ({
      %run_scoped3A = tpu.sem_alloc : memref<!tpu.dma_semaphore, #tpu.memory_space<semaphore_mem>>
      %dma_start3A_271 = arith.constant 0 : i32
      %dma_start3A_272 = tpu.memref_slice %arg20[%add3A_76, %dma_start3A_271] : memref<10240x128xf32, #tpu.memory_space<vmem_shared>> -> memref<64x128xf32, #tpu.memory_space<vmem_shared>>
      %dma_start3A_273 = arith.constant 0 : i32
      %dma_start3A_274 = tpu.memref_slice %arg20[%add3A_76, %dma_start3A_273] : memref<10240x128xf32, #tpu.memory_space<vmem_shared>> -> memref<64x128xf32, #tpu.memory_space<vmem_shared>>
      tpu.enqueue_dma source(%arg19 : memref<64x128xf32, #tpu.memory_space<vmem>>) target(%dma_start3A_274 : memref<64x128xf32, #tpu.memory_space<vmem_shared>>) target_semaphore(%run_scoped3A : memref<!tpu.dma_semaphore, #tpu.memory_space<semaphore_mem>>)
      %dma_wait3A_275 = arith.constant 0 : i32
      %dma_wait3A_276 = tpu.memref_slice %arg20[%add3A_76, %dma_wait3A_275] : memref<10240x128xf32, #tpu.memory_space<vmem_shared>> -> memref<64x128xf32, #tpu.memory_space<vmem_shared>>
      %dma_wait3A_277 = arith.constant 0 : i32
      %dma_wait3A_278 = tpu.memref_slice %arg20[%add3A_76, %dma_wait3A_277] : memref<10240x128xf32, #tpu.memory_space<vmem_shared>> -> memref<64x128xf32, #tpu.memory_space<vmem_shared>>
      tpu.wait_dma2 semaphore(%run_scoped3A : memref<!tpu.dma_semaphore, #tpu.memory_space<semaphore_mem>>) src(%arg19 : memref<64x128xf32, #tpu.memory_space<vmem>>) dst(%dma_wait3A_278 : memref<64x128xf32, #tpu.memory_space<vmem_shared>>)
      tpu.yield
    }) : () -> ()
    %mul3A_77 = arith.constant 640 : i32
    %mul3A_78 = arith.muli %arg1, %mul3A_77 : i32
    %add3A_79 = arith.constant 256 : i32
    %add3A_80 = arith.addi %mul3A_78, %add3A_79 : i32
    "tpu.region"() ({
      %run_scoped3A = tpu.sem_alloc : memref<!tpu.dma_semaphore, #tpu.memory_space<semaphore_mem>>
      %dma_start3A_271 = arith.constant 0 : i32
      %dma_start3A_272 = tpu.memref_slice %arg20[%add3A_80, %dma_start3A_271] : memref<10240x128xf32, #tpu.memory_space<vmem_shared>> -> memref<64x128xf32, #tpu.memory_space<vmem_shared>>
      %dma_start3A_273 = arith.constant 0 : i32
      %dma_start3A_274 = tpu.memref_slice %arg20[%add3A_80, %dma_start3A_273] : memref<10240x128xf32, #tpu.memory_space<vmem_shared>> -> memref<64x128xf32, #tpu.memory_space<vmem_shared>>
      tpu.enqueue_dma source(%arg19 : memref<64x128xf32, #tpu.memory_space<vmem>>) target(%dma_start3A_274 : memref<64x128xf32, #tpu.memory_space<vmem_shared>>) target_semaphore(%run_scoped3A : memref<!tpu.dma_semaphore, #tpu.memory_space<semaphore_mem>>)
      %dma_wait3A_275 = arith.constant 0 : i32
      %dma_wait3A_276 = tpu.memref_slice %arg20[%add3A_80, %dma_wait3A_275] : memref<10240x128xf32, #tpu.memory_space<vmem_shared>> -> memref<64x128xf32, #tpu.memory_space<vmem_shared>>
      %dma_wait3A_277 = arith.constant 0 : i32
      %dma_wait3A_278 = tpu.memref_slice %arg20[%add3A_80, %dma_wait3A_277] : memref<10240x128xf32, #tpu.memory_space<vmem_shared>> -> memref<64x128xf32, #tpu.memory_space<vmem_shared>>
      tpu.wait_dma2 semaphore(%run_scoped3A : memref<!tpu.dma_semaphore, #tpu.memory_space<semaphore_mem>>) src(%arg19 : memref<64x128xf32, #tpu.memory_space<vmem>>) dst(%dma_wait3A_278 : memref<64x128xf32, #tpu.memory_space<vmem_shared>>)
      tpu.yield
    }) : () -> ()
    %mul3A_81 = arith.constant 640 : i32
    %mul3A_82 = arith.muli %arg1, %mul3A_81 : i32
    %add3A_83 = arith.constant 320 : i32
    %add3A_84 = arith.addi %mul3A_82, %add3A_83 : i32
    "tpu.region"() ({
      %run_scoped3A = tpu.sem_alloc : memref<!tpu.dma_semaphore, #tpu.memory_space<semaphore_mem>>
      %dma_start3A_271 = arith.constant 0 : i32
      %dma_start3A_272 = tpu.memref_slice %arg20[%add3A_84, %dma_start3A_271] : memref<10240x128xf32, #tpu.memory_space<vmem_shared>> -> memref<64x128xf32, #tpu.memory_space<vmem_shared>>
      %dma_start3A_273 = arith.constant 0 : i32
      %dma_start3A_274 = tpu.memref_slice %arg20[%add3A_84, %dma_start3A_273] : memref<10240x128xf32, #tpu.memory_space<vmem_shared>> -> memref<64x128xf32, #tpu.memory_space<vmem_shared>>
      tpu.enqueue_dma source(%arg19 : memref<64x128xf32, #tpu.memory_space<vmem>>) target(%dma_start3A_274 : memref<64x128xf32, #tpu.memory_space<vmem_shared>>) target_semaphore(%run_scoped3A : memref<!tpu.dma_semaphore, #tpu.memory_space<semaphore_mem>>)
      %dma_wait3A_275 = arith.constant 0 : i32
      %dma_wait3A_276 = tpu.memref_slice %arg20[%add3A_84, %dma_wait3A_275] : memref<10240x128xf32, #tpu.memory_space<vmem_shared>> -> memref<64x128xf32, #tpu.memory_space<vmem_shared>>
      %dma_wait3A_277 = arith.constant 0 : i32
      %dma_wait3A_278 = tpu.memref_slice %arg20[%add3A_84, %dma_wait3A_277] : memref<10240x128xf32, #tpu.memory_space<vmem_shared>> -> memref<64x128xf32, #tpu.memory_space<vmem_shared>>
      tpu.wait_dma2 semaphore(%run_scoped3A : memref<!tpu.dma_semaphore, #tpu.memory_space<semaphore_mem>>) src(%arg19 : memref<64x128xf32, #tpu.memory_space<vmem>>) dst(%dma_wait3A_278 : memref<64x128xf32, #tpu.memory_space<vmem_shared>>)
      tpu.yield
    }) : () -> ()
    %mul3A_85 = arith.constant 640 : i32
    %mul3A_86 = arith.muli %arg1, %mul3A_85 : i32
    %add3A_87 = arith.constant 384 : i32
    %add3A_88 = arith.addi %mul3A_86, %add3A_87 : i32
    "tpu.region"() ({
      %run_scoped3A = tpu.sem_alloc : memref<!tpu.dma_semaphore, #tpu.memory_space<semaphore_mem>>
      %dma_start3A_271 = arith.constant 0 : i32
      %dma_start3A_272 = tpu.memref_slice %arg20[%add3A_88, %dma_start3A_271] : memref<10240x128xf32, #tpu.memory_space<vmem_shared>> -> memref<64x128xf32, #tpu.memory_space<vmem_shared>>
      %dma_start3A_273 = arith.constant 0 : i32
      %dma_start3A_274 = tpu.memref_slice %arg20[%add3A_88, %dma_start3A_273] : memref<10240x128xf32, #tpu.memory_space<vmem_shared>> -> memref<64x128xf32, #tpu.memory_space<vmem_shared>>
      tpu.enqueue_dma source(%arg19 : memref<64x128xf32, #tpu.memory_space<vmem>>) target(%dma_start3A_274 : memref<64x128xf32, #tpu.memory_space<vmem_shared>>) target_semaphore(%run_scoped3A : memref<!tpu.dma_semaphore, #tpu.memory_space<semaphore_mem>>)
      %dma_wait3A_275 = arith.constant 0 : i32
      %dma_wait3A_276 = tpu.memref_slice %arg20[%add3A_88, %dma_wait3A_275] : memref<10240x128xf32, #tpu.memory_space<vmem_shared>> -> memref<64x128xf32, #tpu.memory_space<vmem_shared>>
      %dma_wait3A_277 = arith.constant 0 : i32
      %dma_wait3A_278 = tpu.memref_slice %arg20[%add3A_88, %dma_wait3A_277] : memref<10240x128xf32, #tpu.memory_space<vmem_shared>> -> memref<64x128xf32, #tpu.memory_space<vmem_shared>>
      tpu.wait_dma2 semaphore(%run_scoped3A : memref<!tpu.dma_semaphore, #tpu.memory_space<semaphore_mem>>) src(%arg19 : memref<64x128xf32, #tpu.memory_space<vmem>>) dst(%dma_wait3A_278 : memref<64x128xf32, #tpu.memory_space<vmem_shared>>)
      tpu.yield
    }) : () -> ()
    %mul3A_89 = arith.constant 640 : i32
    %mul3A_90 = arith.muli %arg1, %mul3A_89 : i32
    %add3A_91 = arith.constant 448 : i32
    %add3A_92 = arith.addi %mul3A_90, %add3A_91 : i32
    "tpu.region"() ({
      %run_scoped3A = tpu.sem_alloc : memref<!tpu.dma_semaphore, #tpu.memory_space<semaphore_mem>>
      %dma_start3A_271 = arith.constant 0 : i32
      %dma_start3A_272 = tpu.memref_slice %arg20[%add3A_92, %dma_start3A_271] : memref<10240x128xf32, #tpu.memory_space<vmem_shared>> -> memref<64x128xf32, #tpu.memory_space<vmem_shared>>
      %dma_start3A_273 = arith.constant 0 : i32
      %dma_start3A_274 = tpu.memref_slice %arg20[%add3A_92, %dma_start3A_273] : memref<10240x128xf32, #tpu.memory_space<vmem_shared>> -> memref<64x128xf32, #tpu.memory_space<vmem_shared>>
      tpu.enqueue_dma source(%arg19 : memref<64x128xf32, #tpu.memory_space<vmem>>) target(%dma_start3A_274 : memref<64x128xf32, #tpu.memory_space<vmem_shared>>) target_semaphore(%run_scoped3A : memref<!tpu.dma_semaphore, #tpu.memory_space<semaphore_mem>>)
      %dma_wait3A_275 = arith.constant 0 : i32
      %dma_wait3A_276 = tpu.memref_slice %arg20[%add3A_92, %dma_wait3A_275] : memref<10240x128xf32, #tpu.memory_space<vmem_shared>> -> memref<64x128xf32, #tpu.memory_space<vmem_shared>>
      %dma_wait3A_277 = arith.constant 0 : i32
      %dma_wait3A_278 = tpu.memref_slice %arg20[%add3A_92, %dma_wait3A_277] : memref<10240x128xf32, #tpu.memory_space<vmem_shared>> -> memref<64x128xf32, #tpu.memory_space<vmem_shared>>
      tpu.wait_dma2 semaphore(%run_scoped3A : memref<!tpu.dma_semaphore, #tpu.memory_space<semaphore_mem>>) src(%arg19 : memref<64x128xf32, #tpu.memory_space<vmem>>) dst(%dma_wait3A_278 : memref<64x128xf32, #tpu.memory_space<vmem_shared>>)
      tpu.yield
    }) : () -> ()
    %mul3A_93 = arith.constant 640 : i32
    %mul3A_94 = arith.muli %arg1, %mul3A_93 : i32
    %add3A_95 = arith.constant 512 : i32
    %add3A_96 = arith.addi %mul3A_94, %add3A_95 : i32
    "tpu.region"() ({
      %run_scoped3A = tpu.sem_alloc : memref<!tpu.dma_semaphore, #tpu.memory_space<semaphore_mem>>
      %dma_start3A_271 = arith.constant 0 : i32
      %dma_start3A_272 = tpu.memref_slice %arg20[%add3A_96, %dma_start3A_271] : memref<10240x128xf32, #tpu.memory_space<vmem_shared>> -> memref<64x128xf32, #tpu.memory_space<vmem_shared>>
      %dma_start3A_273 = arith.constant 0 : i32
      %dma_start3A_274 = tpu.memref_slice %arg20[%add3A_96, %dma_start3A_273] : memref<10240x128xf32, #tpu.memory_space<vmem_shared>> -> memref<64x128xf32, #tpu.memory_space<vmem_shared>>
      tpu.enqueue_dma source(%arg19 : memref<64x128xf32, #tpu.memory_space<vmem>>) target(%dma_start3A_274 : memref<64x128xf32, #tpu.memory_space<vmem_shared>>) target_semaphore(%run_scoped3A : memref<!tpu.dma_semaphore, #tpu.memory_space<semaphore_mem>>)
      %dma_wait3A_275 = arith.constant 0 : i32
      %dma_wait3A_276 = tpu.memref_slice %arg20[%add3A_96, %dma_wait3A_275] : memref<10240x128xf32, #tpu.memory_space<vmem_shared>> -> memref<64x128xf32, #tpu.memory_space<vmem_shared>>
      %dma_wait3A_277 = arith.constant 0 : i32
      %dma_wait3A_278 = tpu.memref_slice %arg20[%add3A_96, %dma_wait3A_277] : memref<10240x128xf32, #tpu.memory_space<vmem_shared>> -> memref<64x128xf32, #tpu.memory_space<vmem_shared>>
      tpu.wait_dma2 semaphore(%run_scoped3A : memref<!tpu.dma_semaphore, #tpu.memory_space<semaphore_mem>>) src(%arg19 : memref<64x128xf32, #tpu.memory_space<vmem>>) dst(%dma_wait3A_278 : memref<64x128xf32, #tpu.memory_space<vmem_shared>>)
      tpu.yield
    }) : () -> ()
    %mul3A_97 = arith.constant 640 : i32
    %mul3A_98 = arith.muli %arg1, %mul3A_97 : i32
    %add3A_99 = arith.constant 576 : i32
    %add3A_100 = arith.addi %mul3A_98, %add3A_99 : i32
    "tpu.region"() ({
      %run_scoped3A = tpu.sem_alloc : memref<!tpu.dma_semaphore, #tpu.memory_space<semaphore_mem>>
      %dma_start3A_271 = arith.constant 0 : i32
      %dma_start3A_272 = tpu.memref_slice %arg20[%add3A_100, %dma_start3A_271] : memref<10240x128xf32, #tpu.memory_space<vmem_shared>> -> memref<64x128xf32, #tpu.memory_space<vmem_shared>>
      %dma_start3A_273 = arith.constant 0 : i32
      %dma_start3A_274 = tpu.memref_slice %arg20[%add3A_100, %dma_start3A_273] : memref<10240x128xf32, #tpu.memory_space<vmem_shared>> -> memref<64x128xf32, #tpu.memory_space<vmem_shared>>
      tpu.enqueue_dma source(%arg19 : memref<64x128xf32, #tpu.memory_space<vmem>>) target(%dma_start3A_274 : memref<64x128xf32, #tpu.memory_space<vmem_shared>>) target_semaphore(%run_scoped3A : memref<!tpu.dma_semaphore, #tpu.memory_space<semaphore_mem>>)
      %dma_wait3A_275 = arith.constant 0 : i32
      %dma_wait3A_276 = tpu.memref_slice %arg20[%add3A_100, %dma_wait3A_275] : memref<10240x128xf32, #tpu.memory_space<vmem_shared>> -> memref<64x128xf32, #tpu.memory_space<vmem_shared>>
      %dma_wait3A_277 = arith.constant 0 : i32
      %dma_wait3A_278 = tpu.memref_slice %arg20[%add3A_100, %dma_wait3A_277] : memref<10240x128xf32, #tpu.memory_space<vmem_shared>> -> memref<64x128xf32, #tpu.memory_space<vmem_shared>>
      tpu.wait_dma2 semaphore(%run_scoped3A : memref<!tpu.dma_semaphore, #tpu.memory_space<semaphore_mem>>) src(%arg19 : memref<64x128xf32, #tpu.memory_space<vmem>>) dst(%dma_wait3A_278 : memref<64x128xf32, #tpu.memory_space<vmem_shared>>)
      tpu.yield
    }) : () -> ()
    %barrier3A = arith.constant 0 : index
    tpu.barrier barrier_id(%barrier3A)
    %scan3A_101 = arith.constant 0 : i32
    %scan3A_102 = arith.constant 0 : i32
    %scan3A_103 = arith.constant 18 : i32
    %scan3A_104 = arith.addi %scan3A_102, %scan3A_103 : i32
    %scan3A_105 = arith.constant 1 : i32
    scf.for %scan3A_271 = %scan3A_102 to %scan3A_104 step %scan3A_105  : i32 {
      %mul3A_272 = arith.constant 2 : i32
      %mul3A_273 = arith.muli %mul3A_272, %scan3A_271 : i32
      %dma_wait3A_274 = arith.constant 0 : i32
      %dma_wait3A_275 = arith.constant 0 : i32
      %dma_wait3A_276 = tpu.memref_slice %arg2[%dma_wait3A_274, %dma_wait3A_275] : memref<10000x128xf32, #tpu.memory_space<hbm>> -> memref<10000x128xf32, #tpu.memory_space<hbm>>
      tpu.wait_indirect_dma semaphore(%arg21 : memref<!tpu.dma_semaphore, #tpu.memory_space<semaphore_mem>>) src(%dma_wait3A_276 : memref<10000x128xf32, #tpu.memory_space<hbm>>) dst(%arg16 : memref<128x128xf32, #tpu.memory_space<vmem>>)
      "tpu.region"() ({
        %run_scoped3A = tpu.sem_alloc : memref<!tpu.dma_semaphore, #tpu.memory_space<semaphore_mem>>
        %dma_start3A_462 = arith.constant 0 : i32
        %dma_start3A_463 = arith.constant 0 : i32
        %dma_start3A_464 = tpu.memref_slice %arg20[%dma_start3A_462, %dma_start3A_463] : memref<10240x128xf32, #tpu.memory_space<vmem_shared>> -> memref<10240x128xf32, #tpu.memory_space<vmem_shared>>
        tpu.enqueue_indirect_dma source(%arg16 : memref<128x128xf32, #tpu.memory_space<vmem>>) target(%dma_start3A_464 : memref<10240x128xf32, #tpu.memory_space<vmem_shared>>) offsets(%arg8 : memref<128xi32, #tpu.memory_space<vmem>>) semaphore(%run_scoped3A : memref<!tpu.dma_semaphore, #tpu.memory_space<semaphore_mem>>) {add = true}
        %dma_wait3A_465 = arith.constant 0 : i32
        %dma_wait3A_466 = arith.constant 0 : i32
        %dma_wait3A_467 = tpu.memref_slice %arg20[%dma_wait3A_465, %dma_wait3A_466] : memref<10240x128xf32, #tpu.memory_space<vmem_shared>> -> memref<10240x128xf32, #tpu.memory_space<vmem_shared>>
        tpu.wait_indirect_dma semaphore(%run_scoped3A : memref<!tpu.dma_semaphore, #tpu.memory_space<semaphore_mem>>) src(%arg16 : memref<128x128xf32, #tpu.memory_space<vmem>>) dst(%dma_wait3A_467 : memref<10240x128xf32, #tpu.memory_space<vmem_shared>>)
        tpu.yield
      }) : () -> ()
      %add3A_277 = arith.constant 1 : i32
      %add3A_278 = arith.addi %mul3A_273, %add3A_277 : i32
      %mul3A_279 = arith.constant 2 : i32
      %mul3A_280 = arith.muli %mul3A_279, %add3A_278 : i32
      %add3A_281 = arith.constant 0 : i32
      %add3A_282 = arith.addi %mul3A_280, %add3A_281 : i32
      %mul3A_283 = arith.constant 128 : i32
      %mul3A_284 = arith.muli %add3A_282, %mul3A_283 : i32
      %add3A_285 = arith.addi %mul3A_2, %mul3A_284 : i32
      %dma_wait3A_286 = tpu.memref_slice %arg4[%add3A_285] : memref<320000xi32, #tpu.memory_space<hbm>> -> memref<128xi32, #tpu.memory_space<hbm>>
      %dma_wait3A_287 = tpu.memref_slice %arg4[%add3A_285] : memref<320000xi32, #tpu.memory_space<hbm>> -> memref<128xi32, #tpu.memory_space<hbm>>
      tpu.wait_dma2 semaphore(%arg23 : memref<!tpu.dma_semaphore, #tpu.memory_space<semaphore_mem>>) src(%dma_wait3A_287 : memref<128xi32, #tpu.memory_space<hbm>>) dst(%arg7 : memref<128xi32, #tpu.memory_space<vmem>>)
      %mul3A_288 = arith.constant 2 : i32
      %mul3A_289 = arith.muli %mul3A_288, %add3A_278 : i32
      %add3A_290 = arith.constant 0 : i32
      %add3A_291 = arith.addi %mul3A_289, %add3A_290 : i32
      %mul3A_292 = arith.constant 128 : i32
      %mul3A_293 = arith.muli %add3A_291, %mul3A_292 : i32
      %add3A_294 = arith.addi %mul3A_2, %mul3A_293 : i32
      %dma_wait3A_295 = tpu.memref_slice %arg3[%add3A_294] : memref<320000xi32, #tpu.memory_space<hbm>> -> memref<128xi32, #tpu.memory_space<hbm>>
      %dma_wait3A_296 = tpu.memref_slice %arg3[%add3A_294] : memref<320000xi32, #tpu.memory_space<hbm>> -> memref<128xi32, #tpu.memory_space<hbm>>
      tpu.wait_dma2 semaphore(%arg23 : memref<!tpu.dma_semaphore, #tpu.memory_space<semaphore_mem>>) src(%dma_wait3A_296 : memref<128xi32, #tpu.memory_space<hbm>>) dst(%arg9 : memref<128xi32, #tpu.memory_space<vmem>>)
      %dma_start3A_297 = arith.constant 0 : i32
      %dma_start3A_298 = arith.constant 0 : i32
      %dma_start3A_299 = tpu.memref_slice %arg2[%dma_start3A_297, %dma_start3A_298] : memref<10000x128xf32, #tpu.memory_space<hbm>> -> memref<10000x128xf32, #tpu.memory_space<hbm>>
      tpu.enqueue_indirect_dma source(%dma_start3A_299 : memref<10000x128xf32, #tpu.memory_space<hbm>>) target(%arg16 : memref<128x128xf32, #tpu.memory_space<vmem>>) offsets(%arg7 : memref<128xi32, #tpu.memory_space<vmem>>) semaphore(%arg21 : memref<!tpu.dma_semaphore, #tpu.memory_space<semaphore_mem>>)
      %add3A_300 = arith.constant 2 : i32
      %add3A_301 = arith.addi %mul3A_273, %add3A_300 : i32
      %mul3A_302 = arith.constant 2 : i32
      %mul3A_303 = arith.muli %mul3A_302, %add3A_301 : i32
      %add3A_304 = arith.constant 0 : i32
      %add3A_305 = arith.addi %mul3A_303, %add3A_304 : i32
      %mul3A_306 = arith.constant 128 : i32
      %mul3A_307 = arith.muli %add3A_305, %mul3A_306 : i32
      %add3A_308 = arith.addi %mul3A_2, %mul3A_307 : i32
      %dma_start3A_309 = tpu.memref_slice %arg4[%add3A_308] : memref<320000xi32, #tpu.memory_space<hbm>> -> memref<128xi32, #tpu.memory_space<hbm>>
      %dma_start3A_310 = tpu.memref_slice %arg4[%add3A_308] : memref<320000xi32, #tpu.memory_space<hbm>> -> memref<128xi32, #tpu.memory_space<hbm>>
      tpu.enqueue_dma source(%dma_start3A_310 : memref<128xi32, #tpu.memory_space<hbm>>) target(%arg6 : memref<128xi32, #tpu.memory_space<vmem>>) target_semaphore(%arg23 : memref<!tpu.dma_semaphore, #tpu.memory_space<semaphore_mem>>)
      %mul3A_311 = arith.constant 2 : i32
      %mul3A_312 = arith.muli %mul3A_311, %add3A_301 : i32
      %add3A_313 = arith.constant 0 : i32
      %add3A_314 = arith.addi %mul3A_312, %add3A_313 : i32
      %mul3A_315 = arith.constant 128 : i32
      %mul3A_316 = arith.muli %add3A_314, %mul3A_315 : i32
      %add3A_317 = arith.addi %mul3A_2, %mul3A_316 : i32
      %dma_start3A_318 = tpu.memref_slice %arg3[%add3A_317] : memref<320000xi32, #tpu.memory_space<hbm>> -> memref<128xi32, #tpu.memory_space<hbm>>
      %dma_start3A_319 = tpu.memref_slice %arg3[%add3A_317] : memref<320000xi32, #tpu.memory_space<hbm>> -> memref<128xi32, #tpu.memory_space<hbm>>
      tpu.enqueue_dma source(%dma_start3A_319 : memref<128xi32, #tpu.memory_space<hbm>>) target(%arg8 : memref<128xi32, #tpu.memory_space<vmem>>) target_semaphore(%arg23 : memref<!tpu.dma_semaphore, #tpu.memory_space<semaphore_mem>>)
      %dma_wait3A_320 = arith.constant 0 : i32
      %dma_wait3A_321 = arith.constant 0 : i32
      %dma_wait3A_322 = tpu.memref_slice %arg2[%dma_wait3A_320, %dma_wait3A_321] : memref<10000x128xf32, #tpu.memory_space<hbm>> -> memref<10000x128xf32, #tpu.memory_space<hbm>>
      tpu.wait_indirect_dma semaphore(%arg22 : memref<!tpu.dma_semaphore, #tpu.memory_space<semaphore_mem>>) src(%dma_wait3A_322 : memref<10000x128xf32, #tpu.memory_space<hbm>>) dst(%arg17 : memref<128x128xf32, #tpu.memory_space<vmem>>)
      "tpu.region"() ({
        %run_scoped3A = tpu.sem_alloc : memref<!tpu.dma_semaphore, #tpu.memory_space<semaphore_mem>>
        %dma_start3A_462 = arith.constant 0 : i32
        %dma_start3A_463 = arith.constant 0 : i32
        %dma_start3A_464 = tpu.memref_slice %arg20[%dma_start3A_462, %dma_start3A_463] : memref<10240x128xf32, #tpu.memory_space<vmem_shared>> -> memref<10240x128xf32, #tpu.memory_space<vmem_shared>>
        tpu.enqueue_indirect_dma source(%arg17 : memref<128x128xf32, #tpu.memory_space<vmem>>) target(%dma_start3A_464 : memref<10240x128xf32, #tpu.memory_space<vmem_shared>>) offsets(%arg12 : memref<128xi32, #tpu.memory_space<vmem>>) semaphore(%run_scoped3A : memref<!tpu.dma_semaphore, #tpu.memory_space<semaphore_mem>>) {add = true}
        %dma_wait3A_465 = arith.constant 0 : i32
        %dma_wait3A_466 = arith.constant 0 : i32
        %dma_wait3A_467 = tpu.memref_slice %arg20[%dma_wait3A_465, %dma_wait3A_466] : memref<10240x128xf32, #tpu.memory_space<vmem_shared>> -> memref<10240x128xf32, #tpu.memory_space<vmem_shared>>
        tpu.wait_indirect_dma semaphore(%run_scoped3A : memref<!tpu.dma_semaphore, #tpu.memory_space<semaphore_mem>>) src(%arg17 : memref<128x128xf32, #tpu.memory_space<vmem>>) dst(%dma_wait3A_467 : memref<10240x128xf32, #tpu.memory_space<vmem_shared>>)
        tpu.yield
      }) : () -> ()
      %add3A_323 = arith.constant 1 : i32
      %add3A_324 = arith.addi %mul3A_273, %add3A_323 : i32
      %mul3A_325 = arith.constant 2 : i32
      %mul3A_326 = arith.muli %mul3A_325, %add3A_324 : i32
      %add3A_327 = arith.constant 1 : i32
      %add3A_328 = arith.addi %mul3A_326, %add3A_327 : i32
      %mul3A_329 = arith.constant 128 : i32
      %mul3A_330 = arith.muli %add3A_328, %mul3A_329 : i32
      %add3A_331 = arith.addi %mul3A_2, %mul3A_330 : i32
      %dma_wait3A_332 = tpu.memref_slice %arg4[%add3A_331] : memref<320000xi32, #tpu.memory_space<hbm>> -> memref<128xi32, #tpu.memory_space<hbm>>
      %dma_wait3A_333 = tpu.memref_slice %arg4[%add3A_331] : memref<320000xi32, #tpu.memory_space<hbm>> -> memref<128xi32, #tpu.memory_space<hbm>>
      tpu.wait_dma2 semaphore(%arg24 : memref<!tpu.dma_semaphore, #tpu.memory_space<semaphore_mem>>) src(%dma_wait3A_333 : memref<128xi32, #tpu.memory_space<hbm>>) dst(%arg11 : memref<128xi32, #tpu.memory_space<vmem>>)
      %mul3A_334 = arith.constant 2 : i32
      %mul3A_335 = arith.muli %mul3A_334, %add3A_324 : i32
      %add3A_336 = arith.constant 1 : i32
      %add3A_337 = arith.addi %mul3A_335, %add3A_336 : i32
      %mul3A_338 = arith.constant 128 : i32
      %mul3A_339 = arith.muli %add3A_337, %mul3A_338 : i32
      %add3A_340 = arith.addi %mul3A_2, %mul3A_339 : i32
      %dma_wait3A_341 = tpu.memref_slice %arg3[%add3A_340] : memref<320000xi32, #tpu.memory_space<hbm>> -> memref<128xi32, #tpu.memory_space<hbm>>
      %dma_wait3A_342 = tpu.memref_slice %arg3[%add3A_340] : memref<320000xi32, #tpu.memory_space<hbm>> -> memref<128xi32, #tpu.memory_space<hbm>>
      tpu.wait_dma2 semaphore(%arg24 : memref<!tpu.dma_semaphore, #tpu.memory_space<semaphore_mem>>) src(%dma_wait3A_342 : memref<128xi32, #tpu.memory_space<hbm>>) dst(%arg13 : memref<128xi32, #tpu.memory_space<vmem>>)
      %dma_start3A_343 = arith.constant 0 : i32
      %dma_start3A_344 = arith.constant 0 : i32
      %dma_start3A_345 = tpu.memref_slice %arg2[%dma_start3A_343, %dma_start3A_344] : memref<10000x128xf32, #tpu.memory_space<hbm>> -> memref<10000x128xf32, #tpu.memory_space<hbm>>
      tpu.enqueue_indirect_dma source(%dma_start3A_345 : memref<10000x128xf32, #tpu.memory_space<hbm>>) target(%arg17 : memref<128x128xf32, #tpu.memory_space<vmem>>) offsets(%arg11 : memref<128xi32, #tpu.memory_space<vmem>>) semaphore(%arg22 : memref<!tpu.dma_semaphore, #tpu.memory_space<semaphore_mem>>)
      %add3A_346 = arith.constant 2 : i32
      %add3A_347 = arith.addi %mul3A_273, %add3A_346 : i32
      %mul3A_348 = arith.constant 2 : i32
      %mul3A_349 = arith.muli %mul3A_348, %add3A_347 : i32
      %add3A_350 = arith.constant 1 : i32
      %add3A_351 = arith.addi %mul3A_349, %add3A_350 : i32
      %mul3A_352 = arith.constant 128 : i32
      %mul3A_353 = arith.muli %add3A_351, %mul3A_352 : i32
      %add3A_354 = arith.addi %mul3A_2, %mul3A_353 : i32
      %dma_start3A_355 = tpu.memref_slice %arg4[%add3A_354] : memref<320000xi32, #tpu.memory_space<hbm>> -> memref<128xi32, #tpu.memory_space<hbm>>
      %dma_start3A_356 = tpu.memref_slice %arg4[%add3A_354] : memref<320000xi32, #tpu.memory_space<hbm>> -> memref<128xi32, #tpu.memory_space<hbm>>
      tpu.enqueue_dma source(%dma_start3A_356 : memref<128xi32, #tpu.memory_space<hbm>>) target(%arg10 : memref<128xi32, #tpu.memory_space<vmem>>) target_semaphore(%arg24 : memref<!tpu.dma_semaphore, #tpu.memory_space<semaphore_mem>>)
      %mul3A_357 = arith.constant 2 : i32
      %mul3A_358 = arith.muli %mul3A_357, %add3A_347 : i32
      %add3A_359 = arith.constant 1 : i32
      %add3A_360 = arith.addi %mul3A_358, %add3A_359 : i32
      %mul3A_361 = arith.constant 128 : i32
      %mul3A_362 = arith.muli %add3A_360, %mul3A_361 : i32
      %add3A_363 = arith.addi %mul3A_2, %mul3A_362 : i32
      %dma_start3A_364 = tpu.memref_slice %arg3[%add3A_363] : memref<320000xi32, #tpu.memory_space<hbm>> -> memref<128xi32, #tpu.memory_space<hbm>>
      %dma_start3A_365 = tpu.memref_slice %arg3[%add3A_363] : memref<320000xi32, #tpu.memory_space<hbm>> -> memref<128xi32, #tpu.memory_space<hbm>>
      tpu.enqueue_dma source(%dma_start3A_365 : memref<128xi32, #tpu.memory_space<hbm>>) target(%arg12 : memref<128xi32, #tpu.memory_space<vmem>>) target_semaphore(%arg24 : memref<!tpu.dma_semaphore, #tpu.memory_space<semaphore_mem>>)
      %add3A_366 = arith.constant 1 : i32
      %add3A_367 = arith.addi %mul3A_273, %add3A_366 : i32
      %dma_wait3A_368 = arith.constant 0 : i32
      %dma_wait3A_369 = arith.constant 0 : i32
      %dma_wait3A_370 = tpu.memref_slice %arg2[%dma_wait3A_368, %dma_wait3A_369] : memref<10000x128xf32, #tpu.memory_space<hbm>> -> memref<10000x128xf32, #tpu.memory_space<hbm>>
      tpu.wait_indirect_dma semaphore(%arg21 : memref<!tpu.dma_semaphore, #tpu.memory_space<semaphore_mem>>) src(%dma_wait3A_370 : memref<10000x128xf32, #tpu.memory_space<hbm>>) dst(%arg16 : memref<128x128xf32, #tpu.memory_space<vmem>>)
      "tpu.region"() ({
        %run_scoped3A = tpu.sem_alloc : memref<!tpu.dma_semaphore, #tpu.memory_space<semaphore_mem>>
        %dma_start3A_462 = arith.constant 0 : i32
        %dma_start3A_463 = arith.constant 0 : i32
        %dma_start3A_464 = tpu.memref_slice %arg20[%dma_start3A_462, %dma_start3A_463] : memref<10240x128xf32, #tpu.memory_space<vmem_shared>> -> memref<10240x128xf32, #tpu.memory_space<vmem_shared>>
        tpu.enqueue_indirect_dma source(%arg16 : memref<128x128xf32, #tpu.memory_space<vmem>>) target(%dma_start3A_464 : memref<10240x128xf32, #tpu.memory_space<vmem_shared>>) offsets(%arg9 : memref<128xi32, #tpu.memory_space<vmem>>) semaphore(%run_scoped3A : memref<!tpu.dma_semaphore, #tpu.memory_space<semaphore_mem>>) {add = true}
        %dma_wait3A_465 = arith.constant 0 : i32
        %dma_wait3A_466 = arith.constant 0 : i32
        %dma_wait3A_467 = tpu.memref_slice %arg20[%dma_wait3A_465, %dma_wait3A_466] : memref<10240x128xf32, #tpu.memory_space<vmem_shared>> -> memref<10240x128xf32, #tpu.memory_space<vmem_shared>>
        tpu.wait_indirect_dma semaphore(%run_scoped3A : memref<!tpu.dma_semaphore, #tpu.memory_space<semaphore_mem>>) src(%arg16 : memref<128x128xf32, #tpu.memory_space<vmem>>) dst(%dma_wait3A_467 : memref<10240x128xf32, #tpu.memory_space<vmem_shared>>)
        tpu.yield
      }) : () -> ()
      %add3A_371 = arith.constant 1 : i32
      %add3A_372 = arith.addi %add3A_367, %add3A_371 : i32
      %mul3A_373 = arith.constant 2 : i32
      %mul3A_374 = arith.muli %mul3A_373, %add3A_372 : i32
      %add3A_375 = arith.constant 0 : i32
      %add3A_376 = arith.addi %mul3A_374, %add3A_375 : i32
      %mul3A_377 = arith.constant 128 : i32
      %mul3A_378 = arith.muli %add3A_376, %mul3A_377 : i32
      %add3A_379 = arith.addi %mul3A_2, %mul3A_378 : i32
      %dma_wait3A_380 = tpu.memref_slice %arg4[%add3A_379] : memref<320000xi32, #tpu.memory_space<hbm>> -> memref<128xi32, #tpu.memory_space<hbm>>
      %dma_wait3A_381 = tpu.memref_slice %arg4[%add3A_379] : memref<320000xi32, #tpu.memory_space<hbm>> -> memref<128xi32, #tpu.memory_space<hbm>>
      tpu.wait_dma2 semaphore(%arg23 : memref<!tpu.dma_semaphore, #tpu.memory_space<semaphore_mem>>) src(%dma_wait3A_381 : memref<128xi32, #tpu.memory_space<hbm>>) dst(%arg6 : memref<128xi32, #tpu.memory_space<vmem>>)
      %mul3A_382 = arith.constant 2 : i32
      %mul3A_383 = arith.muli %mul3A_382, %add3A_372 : i32
      %add3A_384 = arith.constant 0 : i32
      %add3A_385 = arith.addi %mul3A_383, %add3A_384 : i32
      %mul3A_386 = arith.constant 128 : i32
      %mul3A_387 = arith.muli %add3A_385, %mul3A_386 : i32
      %add3A_388 = arith.addi %mul3A_2, %mul3A_387 : i32
      %dma_wait3A_389 = tpu.memref_slice %arg3[%add3A_388] : memref<320000xi32, #tpu.memory_space<hbm>> -> memref<128xi32, #tpu.memory_space<hbm>>
      %dma_wait3A_390 = tpu.memref_slice %arg3[%add3A_388] : memref<320000xi32, #tpu.memory_space<hbm>> -> memref<128xi32, #tpu.memory_space<hbm>>
      tpu.wait_dma2 semaphore(%arg23 : memref<!tpu.dma_semaphore, #tpu.memory_space<semaphore_mem>>) src(%dma_wait3A_390 : memref<128xi32, #tpu.memory_space<hbm>>) dst(%arg8 : memref<128xi32, #tpu.memory_space<vmem>>)
      %dma_start3A_391 = arith.constant 0 : i32
      %dma_start3A_392 = arith.constant 0 : i32
      %dma_start3A_393 = tpu.memref_slice %arg2[%dma_start3A_391, %dma_start3A_392] : memref<10000x128xf32, #tpu.memory_space<hbm>> -> memref<10000x128xf32, #tpu.memory_space<hbm>>
      tpu.enqueue_indirect_dma source(%dma_start3A_393 : memref<10000x128xf32, #tpu.memory_space<hbm>>) target(%arg16 : memref<128x128xf32, #tpu.memory_space<vmem>>) offsets(%arg6 : memref<128xi32, #tpu.memory_space<vmem>>) semaphore(%arg21 : memref<!tpu.dma_semaphore, #tpu.memory_space<semaphore_mem>>)
      %add3A_394 = arith.constant 2 : i32
      %add3A_395 = arith.addi %add3A_367, %add3A_394 : i32
      %mul3A_396 = arith.constant 2 : i32
      %mul3A_397 = arith.muli %mul3A_396, %add3A_395 : i32
      %add3A_398 = arith.constant 0 : i32
      %add3A_399 = arith.addi %mul3A_397, %add3A_398 : i32
      %mul3A_400 = arith.constant 128 : i32
      %mul3A_401 = arith.muli %add3A_399, %mul3A_400 : i32
      %add3A_402 = arith.addi %mul3A_2, %mul3A_401 : i32
      %dma_start3A_403 = tpu.memref_slice %arg4[%add3A_402] : memref<320000xi32, #tpu.memory_space<hbm>> -> memref<128xi32, #tpu.memory_space<hbm>>
      %dma_start3A_404 = tpu.memref_slice %arg4[%add3A_402] : memref<320000xi32, #tpu.memory_space<hbm>> -> memref<128xi32, #tpu.memory_space<hbm>>
      tpu.enqueue_dma source(%dma_start3A_404 : memref<128xi32, #tpu.memory_space<hbm>>) target(%arg7 : memref<128xi32, #tpu.memory_space<vmem>>) target_semaphore(%arg23 : memref<!tpu.dma_semaphore, #tpu.memory_space<semaphore_mem>>)
      %mul3A_405 = arith.constant 2 : i32
      %mul3A_406 = arith.muli %mul3A_405, %add3A_395 : i32
      %add3A_407 = arith.constant 0 : i32
      %add3A_408 = arith.addi %mul3A_406, %add3A_407 : i32
      %mul3A_409 = arith.constant 128 : i32
      %mul3A_410 = arith.muli %add3A_408, %mul3A_409 : i32
      %add3A_411 = arith.addi %mul3A_2, %mul3A_410 : i32
      %dma_start3A_412 = tpu.memref_slice %arg3[%add3A_411] : memref<320000xi32, #tpu.memory_space<hbm>> -> memref<128xi32, #tpu.memory_space<hbm>>
      %dma_start3A_413 = tpu.memref_slice %arg3[%add3A_411] : memref<320000xi32, #tpu.memory_space<hbm>> -> memref<128xi32, #tpu.memory_space<hbm>>
      tpu.enqueue_dma source(%dma_start3A_413 : memref<128xi32, #tpu.memory_space<hbm>>) target(%arg9 : memref<128xi32, #tpu.memory_space<vmem>>) target_semaphore(%arg23 : memref<!tpu.dma_semaphore, #tpu.memory_space<semaphore_mem>>)
      %add3A_414 = arith.constant 1 : i32
      %add3A_415 = arith.addi %mul3A_273, %add3A_414 : i32
      %dma_wait3A_416 = arith.constant 0 : i32
      %dma_wait3A_417 = arith.constant 0 : i32
      %dma_wait3A_418 = tpu.memref_slice %arg2[%dma_wait3A_416, %dma_wait3A_417] : memref<10000x128xf32, #tpu.memory_space<hbm>> -> memref<10000x128xf32, #tpu.memory_space<hbm>>
      tpu.wait_indirect_dma semaphore(%arg22 : memref<!tpu.dma_semaphore, #tpu.memory_space<semaphore_mem>>) src(%dma_wait3A_418 : memref<10000x128xf32, #tpu.memory_space<hbm>>) dst(%arg17 : memref<128x128xf32, #tpu.memory_space<vmem>>)
      "tpu.region"() ({
        %run_scoped3A = tpu.sem_alloc : memref<!tpu.dma_semaphore, #tpu.memory_space<semaphore_mem>>
        %dma_start3A_462 = arith.constant 0 : i32
        %dma_start3A_463 = arith.constant 0 : i32
        %dma_start3A_464 = tpu.memref_slice %arg20[%dma_start3A_462, %dma_start3A_463] : memref<10240x128xf32, #tpu.memory_space<vmem_shared>> -> memref<10240x128xf32, #tpu.memory_space<vmem_shared>>
        tpu.enqueue_indirect_dma source(%arg17 : memref<128x128xf32, #tpu.memory_space<vmem>>) target(%dma_start3A_464 : memref<10240x128xf32, #tpu.memory_space<vmem_shared>>) offsets(%arg13 : memref<128xi32, #tpu.memory_space<vmem>>) semaphore(%run_scoped3A : memref<!tpu.dma_semaphore, #tpu.memory_space<semaphore_mem>>) {add = true}
        %dma_wait3A_465 = arith.constant 0 : i32
        %dma_wait3A_466 = arith.constant 0 : i32
        %dma_wait3A_467 = tpu.memref_slice %arg20[%dma_wait3A_465, %dma_wait3A_466] : memref<10240x128xf32, #tpu.memory_space<vmem_shared>> -> memref<10240x128xf32, #tpu.memory_space<vmem_shared>>
        tpu.wait_indirect_dma semaphore(%run_scoped3A : memref<!tpu.dma_semaphore, #tpu.memory_space<semaphore_mem>>) src(%arg17 : memref<128x128xf32, #tpu.memory_space<vmem>>) dst(%dma_wait3A_467 : memref<10240x128xf32, #tpu.memory_space<vmem_shared>>)
        tpu.yield
      }) : () -> ()
      %add3A_419 = arith.constant 1 : i32
      %add3A_420 = arith.addi %add3A_415, %add3A_419 : i32
      %mul3A_421 = arith.constant 2 : i32
      %mul3A_422 = arith.muli %mul3A_421, %add3A_420 : i32
      %add3A_423 = arith.constant 1 : i32
      %add3A_424 = arith.addi %mul3A_422, %add3A_423 : i32
      %mul3A_425 = arith.constant 128 : i32
      %mul3A_426 = arith.muli %add3A_424, %mul3A_425 : i32
      %add3A_427 = arith.addi %mul3A_2, %mul3A_426 : i32
      %dma_wait3A_428 = tpu.memref_slice %arg4[%add3A_427] : memref<320000xi32, #tpu.memory_space<hbm>> -> memref<128xi32, #tpu.memory_space<hbm>>
      %dma_wait3A_429 = tpu.memref_slice %arg4[%add3A_427] : memref<320000xi32, #tpu.memory_space<hbm>> -> memref<128xi32, #tpu.memory_space<hbm>>
      tpu.wait_dma2 semaphore(%arg24 : memref<!tpu.dma_semaphore, #tpu.memory_space<semaphore_mem>>) src(%dma_wait3A_429 : memref<128xi32, #tpu.memory_space<hbm>>) dst(%arg10 : memref<128xi32, #tpu.memory_space<vmem>>)
      %mul3A_430 = arith.constant 2 : i32
      %mul3A_431 = arith.muli %mul3A_430, %add3A_420 : i32
      %add3A_432 = arith.constant 1 : i32
      %add3A_433 = arith.addi %mul3A_431, %add3A_432 : i32
      %mul3A_434 = arith.constant 128 : i32
      %mul3A_435 = arith.muli %add3A_433, %mul3A_434 : i32
      %add3A_436 = arith.addi %mul3A_2, %mul3A_435 : i32
      %dma_wait3A_437 = tpu.memref_slice %arg3[%add3A_436] : memref<320000xi32, #tpu.memory_space<hbm>> -> memref<128xi32, #tpu.memory_space<hbm>>
      %dma_wait3A_438 = tpu.memref_slice %arg3[%add3A_436] : memref<320000xi32, #tpu.memory_space<hbm>> -> memref<128xi32, #tpu.memory_space<hbm>>
      tpu.wait_dma2 semaphore(%arg24 : memref<!tpu.dma_semaphore, #tpu.memory_space<semaphore_mem>>) src(%dma_wait3A_438 : memref<128xi32, #tpu.memory_space<hbm>>) dst(%arg12 : memref<128xi32, #tpu.memory_space<vmem>>)
      %dma_start3A_439 = arith.constant 0 : i32
      %dma_start3A_440 = arith.constant 0 : i32
      %dma_start3A_441 = tpu.memref_slice %arg2[%dma_start3A_439, %dma_start3A_440] : memref<10000x128xf32, #tpu.memory_space<hbm>> -> memref<10000x128xf32, #tpu.memory_space<hbm>>
      tpu.enqueue_indirect_dma source(%dma_start3A_441 : memref<10000x128xf32, #tpu.memory_space<hbm>>) target(%arg17 : memref<128x128xf32, #tpu.memory_space<vmem>>) offsets(%arg10 : memref<128xi32, #tpu.memory_space<vmem>>) semaphore(%arg22 : memref<!tpu.dma_semaphore, #tpu.memory_space<semaphore_mem>>)
      %add3A_442 = arith.constant 2 : i32
      %add3A_443 = arith.addi %add3A_415, %add3A_442 : i32
      %mul3A_444 = arith.constant 2 : i32
      %mul3A_445 = arith.muli %mul3A_444, %add3A_443 : i32
      %add3A_446 = arith.constant 1 : i32
      %add3A_447 = arith.addi %mul3A_445, %add3A_446 : i32
      %mul3A_448 = arith.constant 128 : i32
      %mul3A_449 = arith.muli %add3A_447, %mul3A_448 : i32
      %add3A_450 = arith.addi %mul3A_2, %mul3A_449 : i32
      %dma_start3A_451 = tpu.memref_slice %arg4[%add3A_450] : memref<320000xi32, #tpu.memory_space<hbm>> -> memref<128xi32, #tpu.memory_space<hbm>>
      %dma_start3A_452 = tpu.memref_slice %arg4[%add3A_450] : memref<320000xi32, #tpu.memory_space<hbm>> -> memref<128xi32, #tpu.memory_space<hbm>>
      tpu.enqueue_dma source(%dma_start3A_452 : memref<128xi32, #tpu.memory_space<hbm>>) target(%arg11 : memref<128xi32, #tpu.memory_space<vmem>>) target_semaphore(%arg24 : memref<!tpu.dma_semaphore, #tpu.memory_space<semaphore_mem>>)
      %mul3A_453 = arith.constant 2 : i32
      %mul3A_454 = arith.muli %mul3A_453, %add3A_443 : i32
      %add3A_455 = arith.constant 1 : i32
      %add3A_456 = arith.addi %mul3A_454, %add3A_455 : i32
      %mul3A_457 = arith.constant 128 : i32
      %mul3A_458 = arith.muli %add3A_456, %mul3A_457 : i32
      %add3A_459 = arith.addi %mul3A_2, %mul3A_458 : i32
      %dma_start3A_460 = tpu.memref_slice %arg3[%add3A_459] : memref<320000xi32, #tpu.memory_space<hbm>> -> memref<128xi32, #tpu.memory_space<hbm>>
      %dma_start3A_461 = tpu.memref_slice %arg3[%add3A_459] : memref<320000xi32, #tpu.memory_space<hbm>> -> memref<128xi32, #tpu.memory_space<hbm>>
      tpu.enqueue_dma source(%dma_start3A_461 : memref<128xi32, #tpu.memory_space<hbm>>) target(%arg13 : memref<128xi32, #tpu.memory_space<vmem>>) target_semaphore(%arg24 : memref<!tpu.dma_semaphore, #tpu.memory_space<semaphore_mem>>)
    }
    %scan3A_106 = arith.constant 18 : i32
    %dma_wait3A_107 = arith.constant 0 : i32
    %dma_wait3A_108 = arith.constant 0 : i32
    %dma_wait3A_109 = tpu.memref_slice %arg2[%dma_wait3A_107, %dma_wait3A_108] : memref<10000x128xf32, #tpu.memory_space<hbm>> -> memref<10000x128xf32, #tpu.memory_space<hbm>>
    tpu.wait_indirect_dma semaphore(%arg21 : memref<!tpu.dma_semaphore, #tpu.memory_space<semaphore_mem>>) src(%dma_wait3A_109 : memref<10000x128xf32, #tpu.memory_space<hbm>>) dst(%arg16 : memref<128x128xf32, #tpu.memory_space<vmem>>)
    "tpu.region"() ({
      %run_scoped3A = tpu.sem_alloc : memref<!tpu.dma_semaphore, #tpu.memory_space<semaphore_mem>>
      %dma_start3A_271 = arith.constant 0 : i32
      %dma_start3A_272 = arith.constant 0 : i32
      %dma_start3A_273 = tpu.memref_slice %arg20[%dma_start3A_271, %dma_start3A_272] : memref<10240x128xf32, #tpu.memory_space<vmem_shared>> -> memref<10240x128xf32, #tpu.memory_space<vmem_shared>>
      tpu.enqueue_indirect_dma source(%arg16 : memref<128x128xf32, #tpu.memory_space<vmem>>) target(%dma_start3A_273 : memref<10240x128xf32, #tpu.memory_space<vmem_shared>>) offsets(%arg8 : memref<128xi32, #tpu.memory_space<vmem>>) semaphore(%run_scoped3A : memref<!tpu.dma_semaphore, #tpu.memory_space<semaphore_mem>>) {add = true}
      %dma_wait3A_274 = arith.constant 0 : i32
      %dma_wait3A_275 = arith.constant 0 : i32
      %dma_wait3A_276 = tpu.memref_slice %arg20[%dma_wait3A_274, %dma_wait3A_275] : memref<10240x128xf32, #tpu.memory_space<vmem_shared>> -> memref<10240x128xf32, #tpu.memory_space<vmem_shared>>
      tpu.wait_indirect_dma semaphore(%run_scoped3A : memref<!tpu.dma_semaphore, #tpu.memory_space<semaphore_mem>>) src(%arg16 : memref<128x128xf32, #tpu.memory_space<vmem>>) dst(%dma_wait3A_276 : memref<10240x128xf32, #tpu.memory_space<vmem_shared>>)
      tpu.yield
    }) : () -> ()
    %add3A_110 = arith.constant 9472 : i32
    %add3A_111 = arith.addi %mul3A_2, %add3A_110 : i32
    %dma_wait3A_112 = tpu.memref_slice %arg4[%add3A_111] : memref<320000xi32, #tpu.memory_space<hbm>> -> memref<128xi32, #tpu.memory_space<hbm>>
    %dma_wait3A_113 = tpu.memref_slice %arg4[%add3A_111] : memref<320000xi32, #tpu.memory_space<hbm>> -> memref<128xi32, #tpu.memory_space<hbm>>
    tpu.wait_dma2 semaphore(%arg23 : memref<!tpu.dma_semaphore, #tpu.memory_space<semaphore_mem>>) src(%dma_wait3A_113 : memref<128xi32, #tpu.memory_space<hbm>>) dst(%arg7 : memref<128xi32, #tpu.memory_space<vmem>>)
    %add3A_114 = arith.constant 9472 : i32
    %add3A_115 = arith.addi %mul3A_2, %add3A_114 : i32
    %dma_wait3A_116 = tpu.memref_slice %arg3[%add3A_115] : memref<320000xi32, #tpu.memory_space<hbm>> -> memref<128xi32, #tpu.memory_space<hbm>>
    %dma_wait3A_117 = tpu.memref_slice %arg3[%add3A_115] : memref<320000xi32, #tpu.memory_space<hbm>> -> memref<128xi32, #tpu.memory_space<hbm>>
    tpu.wait_dma2 semaphore(%arg23 : memref<!tpu.dma_semaphore, #tpu.memory_space<semaphore_mem>>) src(%dma_wait3A_117 : memref<128xi32, #tpu.memory_space<hbm>>) dst(%arg9 : memref<128xi32, #tpu.memory_space<vmem>>)
    %dma_start3A_118 = arith.constant 0 : i32
    %dma_start3A_119 = arith.constant 0 : i32
    %dma_start3A_120 = tpu.memref_slice %arg2[%dma_start3A_118, %dma_start3A_119] : memref<10000x128xf32, #tpu.memory_space<hbm>> -> memref<10000x128xf32, #tpu.memory_space<hbm>>
    tpu.enqueue_indirect_dma source(%dma_start3A_120 : memref<10000x128xf32, #tpu.memory_space<hbm>>) target(%arg16 : memref<128x128xf32, #tpu.memory_space<vmem>>) offsets(%arg7 : memref<128xi32, #tpu.memory_space<vmem>>) semaphore(%arg21 : memref<!tpu.dma_semaphore, #tpu.memory_space<semaphore_mem>>)
    %add3A_121 = arith.constant 9728 : i32
    %add3A_122 = arith.addi %mul3A_2, %add3A_121 : i32
    %dma_start3A_123 = tpu.memref_slice %arg4[%add3A_122] : memref<320000xi32, #tpu.memory_space<hbm>> -> memref<128xi32, #tpu.memory_space<hbm>>
    %dma_start3A_124 = tpu.memref_slice %arg4[%add3A_122] : memref<320000xi32, #tpu.memory_space<hbm>> -> memref<128xi32, #tpu.memory_space<hbm>>
    tpu.enqueue_dma source(%dma_start3A_124 : memref<128xi32, #tpu.memory_space<hbm>>) target(%arg6 : memref<128xi32, #tpu.memory_space<vmem>>) target_semaphore(%arg23 : memref<!tpu.dma_semaphore, #tpu.memory_space<semaphore_mem>>)
    %add3A_125 = arith.constant 9728 : i32
    %add3A_126 = arith.addi %mul3A_2, %add3A_125 : i32
    %dma_start3A_127 = tpu.memref_slice %arg3[%add3A_126] : memref<320000xi32, #tpu.memory_space<hbm>> -> memref<128xi32, #tpu.memory_space<hbm>>
    %dma_start3A_128 = tpu.memref_slice %arg3[%add3A_126] : memref<320000xi32, #tpu.memory_space<hbm>> -> memref<128xi32, #tpu.memory_space<hbm>>
    tpu.enqueue_dma source(%dma_start3A_128 : memref<128xi32, #tpu.memory_space<hbm>>) target(%arg8 : memref<128xi32, #tpu.memory_space<vmem>>) target_semaphore(%arg23 : memref<!tpu.dma_semaphore, #tpu.memory_space<semaphore_mem>>)
    %dma_wait3A_129 = arith.constant 0 : i32
    %dma_wait3A_130 = arith.constant 0 : i32
    %dma_wait3A_131 = tpu.memref_slice %arg2[%dma_wait3A_129, %dma_wait3A_130] : memref<10000x128xf32, #tpu.memory_space<hbm>> -> memref<10000x128xf32, #tpu.memory_space<hbm>>
    tpu.wait_indirect_dma semaphore(%arg22 : memref<!tpu.dma_semaphore, #tpu.memory_space<semaphore_mem>>) src(%dma_wait3A_131 : memref<10000x128xf32, #tpu.memory_space<hbm>>) dst(%arg17 : memref<128x128xf32, #tpu.memory_space<vmem>>)
    "tpu.region"() ({
      %run_scoped3A = tpu.sem_alloc : memref<!tpu.dma_semaphore, #tpu.memory_space<semaphore_mem>>
      %dma_start3A_271 = arith.constant 0 : i32
      %dma_start3A_272 = arith.constant 0 : i32
      %dma_start3A_273 = tpu.memref_slice %arg20[%dma_start3A_271, %dma_start3A_272] : memref<10240x128xf32, #tpu.memory_space<vmem_shared>> -> memref<10240x128xf32, #tpu.memory_space<vmem_shared>>
      tpu.enqueue_indirect_dma source(%arg17 : memref<128x128xf32, #tpu.memory_space<vmem>>) target(%dma_start3A_273 : memref<10240x128xf32, #tpu.memory_space<vmem_shared>>) offsets(%arg12 : memref<128xi32, #tpu.memory_space<vmem>>) semaphore(%run_scoped3A : memref<!tpu.dma_semaphore, #tpu.memory_space<semaphore_mem>>) {add = true}
      %dma_wait3A_274 = arith.constant 0 : i32
      %dma_wait3A_275 = arith.constant 0 : i32
      %dma_wait3A_276 = tpu.memref_slice %arg20[%dma_wait3A_274, %dma_wait3A_275] : memref<10240x128xf32, #tpu.memory_space<vmem_shared>> -> memref<10240x128xf32, #tpu.memory_space<vmem_shared>>
      tpu.wait_indirect_dma semaphore(%run_scoped3A : memref<!tpu.dma_semaphore, #tpu.memory_space<semaphore_mem>>) src(%arg17 : memref<128x128xf32, #tpu.memory_space<vmem>>) dst(%dma_wait3A_276 : memref<10240x128xf32, #tpu.memory_space<vmem_shared>>)
      tpu.yield
    }) : () -> ()
    %add3A_132 = arith.constant 9600 : i32
    %add3A_133 = arith.addi %mul3A_2, %add3A_132 : i32
    %dma_wait3A_134 = tpu.memref_slice %arg4[%add3A_133] : memref<320000xi32, #tpu.memory_space<hbm>> -> memref<128xi32, #tpu.memory_space<hbm>>
    %dma_wait3A_135 = tpu.memref_slice %arg4[%add3A_133] : memref<320000xi32, #tpu.memory_space<hbm>> -> memref<128xi32, #tpu.memory_space<hbm>>
    tpu.wait_dma2 semaphore(%arg24 : memref<!tpu.dma_semaphore, #tpu.memory_space<semaphore_mem>>) src(%dma_wait3A_135 : memref<128xi32, #tpu.memory_space<hbm>>) dst(%arg11 : memref<128xi32, #tpu.memory_space<vmem>>)
    %add3A_136 = arith.constant 9600 : i32
    %add3A_137 = arith.addi %mul3A_2, %add3A_136 : i32
    %dma_wait3A_138 = tpu.memref_slice %arg3[%add3A_137] : memref<320000xi32, #tpu.memory_space<hbm>> -> memref<128xi32, #tpu.memory_space<hbm>>
    %dma_wait3A_139 = tpu.memref_slice %arg3[%add3A_137] : memref<320000xi32, #tpu.memory_space<hbm>> -> memref<128xi32, #tpu.memory_space<hbm>>
    tpu.wait_dma2 semaphore(%arg24 : memref<!tpu.dma_semaphore, #tpu.memory_space<semaphore_mem>>) src(%dma_wait3A_139 : memref<128xi32, #tpu.memory_space<hbm>>) dst(%arg13 : memref<128xi32, #tpu.memory_space<vmem>>)
    %dma_start3A_140 = arith.constant 0 : i32
    %dma_start3A_141 = arith.constant 0 : i32
    %dma_start3A_142 = tpu.memref_slice %arg2[%dma_start3A_140, %dma_start3A_141] : memref<10000x128xf32, #tpu.memory_space<hbm>> -> memref<10000x128xf32, #tpu.memory_space<hbm>>
    tpu.enqueue_indirect_dma source(%dma_start3A_142 : memref<10000x128xf32, #tpu.memory_space<hbm>>) target(%arg17 : memref<128x128xf32, #tpu.memory_space<vmem>>) offsets(%arg11 : memref<128xi32, #tpu.memory_space<vmem>>) semaphore(%arg22 : memref<!tpu.dma_semaphore, #tpu.memory_space<semaphore_mem>>)
    %add3A_143 = arith.constant 9856 : i32
    %add3A_144 = arith.addi %mul3A_2, %add3A_143 : i32
    %dma_start3A_145 = tpu.memref_slice %arg4[%add3A_144] : memref<320000xi32, #tpu.memory_space<hbm>> -> memref<128xi32, #tpu.memory_space<hbm>>
    %dma_start3A_146 = tpu.memref_slice %arg4[%add3A_144] : memref<320000xi32, #tpu.memory_space<hbm>> -> memref<128xi32, #tpu.memory_space<hbm>>
    tpu.enqueue_dma source(%dma_start3A_146 : memref<128xi32, #tpu.memory_space<hbm>>) target(%arg10 : memref<128xi32, #tpu.memory_space<vmem>>) target_semaphore(%arg24 : memref<!tpu.dma_semaphore, #tpu.memory_space<semaphore_mem>>)
    %add3A_147 = arith.constant 9856 : i32
    %add3A_148 = arith.addi %mul3A_2, %add3A_147 : i32
    %dma_start3A_149 = tpu.memref_slice %arg3[%add3A_148] : memref<320000xi32, #tpu.memory_space<hbm>> -> memref<128xi32, #tpu.memory_space<hbm>>
    %dma_start3A_150 = tpu.memref_slice %arg3[%add3A_148] : memref<320000xi32, #tpu.memory_space<hbm>> -> memref<128xi32, #tpu.memory_space<hbm>>
    tpu.enqueue_dma source(%dma_start3A_150 : memref<128xi32, #tpu.memory_space<hbm>>) target(%arg12 : memref<128xi32, #tpu.memory_space<vmem>>) target_semaphore(%arg24 : memref<!tpu.dma_semaphore, #tpu.memory_space<semaphore_mem>>)
    %dma_wait3A_151 = arith.constant 0 : i32
    %dma_wait3A_152 = arith.constant 0 : i32
    %dma_wait3A_153 = tpu.memref_slice %arg2[%dma_wait3A_151, %dma_wait3A_152] : memref<10000x128xf32, #tpu.memory_space<hbm>> -> memref<10000x128xf32, #tpu.memory_space<hbm>>
    tpu.wait_indirect_dma semaphore(%arg21 : memref<!tpu.dma_semaphore, #tpu.memory_space<semaphore_mem>>) src(%dma_wait3A_153 : memref<10000x128xf32, #tpu.memory_space<hbm>>) dst(%arg16 : memref<128x128xf32, #tpu.memory_space<vmem>>)
    "tpu.region"() ({
      %run_scoped3A = tpu.sem_alloc : memref<!tpu.dma_semaphore, #tpu.memory_space<semaphore_mem>>
      %dma_start3A_271 = arith.constant 0 : i32
      %dma_start3A_272 = arith.constant 0 : i32
      %dma_start3A_273 = tpu.memref_slice %arg20[%dma_start3A_271, %dma_start3A_272] : memref<10240x128xf32, #tpu.memory_space<vmem_shared>> -> memref<10240x128xf32, #tpu.memory_space<vmem_shared>>
      tpu.enqueue_indirect_dma source(%arg16 : memref<128x128xf32, #tpu.memory_space<vmem>>) target(%dma_start3A_273 : memref<10240x128xf32, #tpu.memory_space<vmem_shared>>) offsets(%arg9 : memref<128xi32, #tpu.memory_space<vmem>>) semaphore(%run_scoped3A : memref<!tpu.dma_semaphore, #tpu.memory_space<semaphore_mem>>) {add = true}
      %dma_wait3A_274 = arith.constant 0 : i32
      %dma_wait3A_275 = arith.constant 0 : i32
      %dma_wait3A_276 = tpu.memref_slice %arg20[%dma_wait3A_274, %dma_wait3A_275] : memref<10240x128xf32, #tpu.memory_space<vmem_shared>> -> memref<10240x128xf32, #tpu.memory_space<vmem_shared>>
      tpu.wait_indirect_dma semaphore(%run_scoped3A : memref<!tpu.dma_semaphore, #tpu.memory_space<semaphore_mem>>) src(%arg16 : memref<128x128xf32, #tpu.memory_space<vmem>>) dst(%dma_wait3A_276 : memref<10240x128xf32, #tpu.memory_space<vmem_shared>>)
      tpu.yield
    }) : () -> ()
    %add3A_154 = arith.constant 9728 : i32
    %add3A_155 = arith.addi %mul3A_2, %add3A_154 : i32
    %dma_wait3A_156 = tpu.memref_slice %arg4[%add3A_155] : memref<320000xi32, #tpu.memory_space<hbm>> -> memref<128xi32, #tpu.memory_space<hbm>>
    %dma_wait3A_157 = tpu.memref_slice %arg4[%add3A_155] : memref<320000xi32, #tpu.memory_space<hbm>> -> memref<128xi32, #tpu.memory_space<hbm>>
    tpu.wait_dma2 semaphore(%arg23 : memref<!tpu.dma_semaphore, #tpu.memory_space<semaphore_mem>>) src(%dma_wait3A_157 : memref<128xi32, #tpu.memory_space<hbm>>) dst(%arg6 : memref<128xi32, #tpu.memory_space<vmem>>)
    %add3A_158 = arith.constant 9728 : i32
    %add3A_159 = arith.addi %mul3A_2, %add3A_158 : i32
    %dma_wait3A_160 = tpu.memref_slice %arg3[%add3A_159] : memref<320000xi32, #tpu.memory_space<hbm>> -> memref<128xi32, #tpu.memory_space<hbm>>
    %dma_wait3A_161 = tpu.memref_slice %arg3[%add3A_159] : memref<320000xi32, #tpu.memory_space<hbm>> -> memref<128xi32, #tpu.memory_space<hbm>>
    tpu.wait_dma2 semaphore(%arg23 : memref<!tpu.dma_semaphore, #tpu.memory_space<semaphore_mem>>) src(%dma_wait3A_161 : memref<128xi32, #tpu.memory_space<hbm>>) dst(%arg8 : memref<128xi32, #tpu.memory_space<vmem>>)
    %dma_start3A_162 = arith.constant 0 : i32
    %dma_start3A_163 = arith.constant 0 : i32
    %dma_start3A_164 = tpu.memref_slice %arg2[%dma_start3A_162, %dma_start3A_163] : memref<10000x128xf32, #tpu.memory_space<hbm>> -> memref<10000x128xf32, #tpu.memory_space<hbm>>
    tpu.enqueue_indirect_dma source(%dma_start3A_164 : memref<10000x128xf32, #tpu.memory_space<hbm>>) target(%arg16 : memref<128x128xf32, #tpu.memory_space<vmem>>) offsets(%arg6 : memref<128xi32, #tpu.memory_space<vmem>>) semaphore(%arg21 : memref<!tpu.dma_semaphore, #tpu.memory_space<semaphore_mem>>)
    %dma_wait3A_165 = arith.constant 0 : i32
    %dma_wait3A_166 = arith.constant 0 : i32
    %dma_wait3A_167 = tpu.memref_slice %arg2[%dma_wait3A_165, %dma_wait3A_166] : memref<10000x128xf32, #tpu.memory_space<hbm>> -> memref<10000x128xf32, #tpu.memory_space<hbm>>
    tpu.wait_indirect_dma semaphore(%arg21 : memref<!tpu.dma_semaphore, #tpu.memory_space<semaphore_mem>>) src(%dma_wait3A_167 : memref<10000x128xf32, #tpu.memory_space<hbm>>) dst(%arg16 : memref<128x128xf32, #tpu.memory_space<vmem>>)
    "tpu.region"() ({
      %run_scoped3A = tpu.sem_alloc : memref<!tpu.dma_semaphore, #tpu.memory_space<semaphore_mem>>
      %dma_start3A_271 = arith.constant 0 : i32
      %dma_start3A_272 = arith.constant 0 : i32
      %dma_start3A_273 = tpu.memref_slice %arg20[%dma_start3A_271, %dma_start3A_272] : memref<10240x128xf32, #tpu.memory_space<vmem_shared>> -> memref<10240x128xf32, #tpu.memory_space<vmem_shared>>
      tpu.enqueue_indirect_dma source(%arg16 : memref<128x128xf32, #tpu.memory_space<vmem>>) target(%dma_start3A_273 : memref<10240x128xf32, #tpu.memory_space<vmem_shared>>) offsets(%arg8 : memref<128xi32, #tpu.memory_space<vmem>>) semaphore(%run_scoped3A : memref<!tpu.dma_semaphore, #tpu.memory_space<semaphore_mem>>) {add = true}
      %dma_wait3A_274 = arith.constant 0 : i32
      %dma_wait3A_275 = arith.constant 0 : i32
      %dma_wait3A_276 = tpu.memref_slice %arg20[%dma_wait3A_274, %dma_wait3A_275] : memref<10240x128xf32, #tpu.memory_space<vmem_shared>> -> memref<10240x128xf32, #tpu.memory_space<vmem_shared>>
      tpu.wait_indirect_dma semaphore(%run_scoped3A : memref<!tpu.dma_semaphore, #tpu.memory_space<semaphore_mem>>) src(%arg16 : memref<128x128xf32, #tpu.memory_space<vmem>>) dst(%dma_wait3A_276 : memref<10240x128xf32, #tpu.memory_space<vmem_shared>>)
      tpu.yield
    }) : () -> ()
    %dma_wait3A_168 = arith.constant 0 : i32
    %dma_wait3A_169 = arith.constant 0 : i32
    %dma_wait3A_170 = tpu.memref_slice %arg2[%dma_wait3A_168, %dma_wait3A_169] : memref<10000x128xf32, #tpu.memory_space<hbm>> -> memref<10000x128xf32, #tpu.memory_space<hbm>>
    tpu.wait_indirect_dma semaphore(%arg22 : memref<!tpu.dma_semaphore, #tpu.memory_space<semaphore_mem>>) src(%dma_wait3A_170 : memref<10000x128xf32, #tpu.memory_space<hbm>>) dst(%arg17 : memref<128x128xf32, #tpu.memory_space<vmem>>)
    "tpu.region"() ({
      %run_scoped3A = tpu.sem_alloc : memref<!tpu.dma_semaphore, #tpu.memory_space<semaphore_mem>>
      %dma_start3A_271 = arith.constant 0 : i32
      %dma_start3A_272 = arith.constant 0 : i32
      %dma_start3A_273 = tpu.memref_slice %arg20[%dma_start3A_271, %dma_start3A_272] : memref<10240x128xf32, #tpu.memory_space<vmem_shared>> -> memref<10240x128xf32, #tpu.memory_space<vmem_shared>>
      tpu.enqueue_indirect_dma source(%arg17 : memref<128x128xf32, #tpu.memory_space<vmem>>) target(%dma_start3A_273 : memref<10240x128xf32, #tpu.memory_space<vmem_shared>>) offsets(%arg13 : memref<128xi32, #tpu.memory_space<vmem>>) semaphore(%run_scoped3A : memref<!tpu.dma_semaphore, #tpu.memory_space<semaphore_mem>>) {add = true}
      %dma_wait3A_274 = arith.constant 0 : i32
      %dma_wait3A_275 = arith.constant 0 : i32
      %dma_wait3A_276 = tpu.memref_slice %arg20[%dma_wait3A_274, %dma_wait3A_275] : memref<10240x128xf32, #tpu.memory_space<vmem_shared>> -> memref<10240x128xf32, #tpu.memory_space<vmem_shared>>
      tpu.wait_indirect_dma semaphore(%run_scoped3A : memref<!tpu.dma_semaphore, #tpu.memory_space<semaphore_mem>>) src(%arg17 : memref<128x128xf32, #tpu.memory_space<vmem>>) dst(%dma_wait3A_276 : memref<10240x128xf32, #tpu.memory_space<vmem_shared>>)
      tpu.yield
    }) : () -> ()
    %add3A_171 = arith.constant 9856 : i32
    %add3A_172 = arith.addi %mul3A_2, %add3A_171 : i32
    %dma_wait3A_173 = tpu.memref_slice %arg4[%add3A_172] : memref<320000xi32, #tpu.memory_space<hbm>> -> memref<128xi32, #tpu.memory_space<hbm>>
    %dma_wait3A_174 = tpu.memref_slice %arg4[%add3A_172] : memref<320000xi32, #tpu.memory_space<hbm>> -> memref<128xi32, #tpu.memory_space<hbm>>
    tpu.wait_dma2 semaphore(%arg24 : memref<!tpu.dma_semaphore, #tpu.memory_space<semaphore_mem>>) src(%dma_wait3A_174 : memref<128xi32, #tpu.memory_space<hbm>>) dst(%arg10 : memref<128xi32, #tpu.memory_space<vmem>>)
    %add3A_175 = arith.constant 9856 : i32
    %add3A_176 = arith.addi %mul3A_2, %add3A_175 : i32
    %dma_wait3A_177 = tpu.memref_slice %arg3[%add3A_176] : memref<320000xi32, #tpu.memory_space<hbm>> -> memref<128xi32, #tpu.memory_space<hbm>>
    %dma_wait3A_178 = tpu.memref_slice %arg3[%add3A_176] : memref<320000xi32, #tpu.memory_space<hbm>> -> memref<128xi32, #tpu.memory_space<hbm>>
    tpu.wait_dma2 semaphore(%arg24 : memref<!tpu.dma_semaphore, #tpu.memory_space<semaphore_mem>>) src(%dma_wait3A_178 : memref<128xi32, #tpu.memory_space<hbm>>) dst(%arg12 : memref<128xi32, #tpu.memory_space<vmem>>)
    %dma_start3A_179 = arith.constant 0 : i32
    %dma_start3A_180 = arith.constant 0 : i32
    %dma_start3A_181 = tpu.memref_slice %arg2[%dma_start3A_179, %dma_start3A_180] : memref<10000x128xf32, #tpu.memory_space<hbm>> -> memref<10000x128xf32, #tpu.memory_space<hbm>>
    tpu.enqueue_indirect_dma source(%dma_start3A_181 : memref<10000x128xf32, #tpu.memory_space<hbm>>) target(%arg17 : memref<128x128xf32, #tpu.memory_space<vmem>>) offsets(%arg10 : memref<128xi32, #tpu.memory_space<vmem>>) semaphore(%arg22 : memref<!tpu.dma_semaphore, #tpu.memory_space<semaphore_mem>>)
    %dma_wait3A_182 = arith.constant 0 : i32
    %dma_wait3A_183 = arith.constant 0 : i32
    %dma_wait3A_184 = tpu.memref_slice %arg2[%dma_wait3A_182, %dma_wait3A_183] : memref<10000x128xf32, #tpu.memory_space<hbm>> -> memref<10000x128xf32, #tpu.memory_space<hbm>>
    tpu.wait_indirect_dma semaphore(%arg22 : memref<!tpu.dma_semaphore, #tpu.memory_space<semaphore_mem>>) src(%dma_wait3A_184 : memref<10000x128xf32, #tpu.memory_space<hbm>>) dst(%arg17 : memref<128x128xf32, #tpu.memory_space<vmem>>)
    "tpu.region"() ({
      %run_scoped3A = tpu.sem_alloc : memref<!tpu.dma_semaphore, #tpu.memory_space<semaphore_mem>>
      %dma_start3A_271 = arith.constant 0 : i32
      %dma_start3A_272 = arith.constant 0 : i32
      %dma_start3A_273 = tpu.memref_slice %arg20[%dma_start3A_271, %dma_start3A_272] : memref<10240x128xf32, #tpu.memory_space<vmem_shared>> -> memref<10240x128xf32, #tpu.memory_space<vmem_shared>>
      tpu.enqueue_indirect_dma source(%arg17 : memref<128x128xf32, #tpu.memory_space<vmem>>) target(%dma_start3A_273 : memref<10240x128xf32, #tpu.memory_space<vmem_shared>>) offsets(%arg12 : memref<128xi32, #tpu.memory_space<vmem>>) semaphore(%run_scoped3A : memref<!tpu.dma_semaphore, #tpu.memory_space<semaphore_mem>>) {add = true}
      %dma_wait3A_274 = arith.constant 0 : i32
      %dma_wait3A_275 = arith.constant 0 : i32
      %dma_wait3A_276 = tpu.memref_slice %arg20[%dma_wait3A_274, %dma_wait3A_275] : memref<10240x128xf32, #tpu.memory_space<vmem_shared>> -> memref<10240x128xf32, #tpu.memory_space<vmem_shared>>
      tpu.wait_indirect_dma semaphore(%run_scoped3A : memref<!tpu.dma_semaphore, #tpu.memory_space<semaphore_mem>>) src(%arg17 : memref<128x128xf32, #tpu.memory_space<vmem>>) dst(%dma_wait3A_276 : memref<10240x128xf32, #tpu.memory_space<vmem_shared>>)
      tpu.yield
    }) : () -> ()
    %add3A_185 = arith.constant 9984 : i32
    %add3A_186 = arith.addi %mul3A_2, %add3A_185 : i32
    "tpu.region"() ({
      %run_scoped3A = tpu.sem_alloc : memref<!tpu.dma_semaphore, #tpu.memory_space<semaphore_mem>>
      %dma_start3A_271 = tpu.memref_slice %arg4[%add3A_186] : memref<320000xi32, #tpu.memory_space<hbm>> -> memref<16xi32, #tpu.memory_space<hbm>>
      %dma_start3A_272 = tpu.memref_slice %arg4[%add3A_186] : memref<320000xi32, #tpu.memory_space<hbm>> -> memref<16xi32, #tpu.memory_space<hbm>>
      tpu.enqueue_dma source(%dma_start3A_272 : memref<16xi32, #tpu.memory_space<hbm>>) target(%arg14 : memref<16xi32, #tpu.memory_space<vmem>>) target_semaphore(%run_scoped3A : memref<!tpu.dma_semaphore, #tpu.memory_space<semaphore_mem>>)
      %dma_wait3A_273 = tpu.memref_slice %arg4[%add3A_186] : memref<320000xi32, #tpu.memory_space<hbm>> -> memref<16xi32, #tpu.memory_space<hbm>>
      %dma_wait3A_274 = tpu.memref_slice %arg4[%add3A_186] : memref<320000xi32, #tpu.memory_space<hbm>> -> memref<16xi32, #tpu.memory_space<hbm>>
      tpu.wait_dma2 semaphore(%run_scoped3A : memref<!tpu.dma_semaphore, #tpu.memory_space<semaphore_mem>>) src(%dma_wait3A_274 : memref<16xi32, #tpu.memory_space<hbm>>) dst(%arg14 : memref<16xi32, #tpu.memory_space<vmem>>)
      tpu.yield
    }) : () -> ()
    %add3A_187 = arith.constant 9984 : i32
    %add3A_188 = arith.addi %mul3A_2, %add3A_187 : i32
    "tpu.region"() ({
      %run_scoped3A = tpu.sem_alloc : memref<!tpu.dma_semaphore, #tpu.memory_space<semaphore_mem>>
      %dma_start3A_271 = tpu.memref_slice %arg3[%add3A_188] : memref<320000xi32, #tpu.memory_space<hbm>> -> memref<16xi32, #tpu.memory_space<hbm>>
      %dma_start3A_272 = tpu.memref_slice %arg3[%add3A_188] : memref<320000xi32, #tpu.memory_space<hbm>> -> memref<16xi32, #tpu.memory_space<hbm>>
      tpu.enqueue_dma source(%dma_start3A_272 : memref<16xi32, #tpu.memory_space<hbm>>) target(%arg15 : memref<16xi32, #tpu.memory_space<vmem>>) target_semaphore(%run_scoped3A : memref<!tpu.dma_semaphore, #tpu.memory_space<semaphore_mem>>)
      %dma_wait3A_273 = tpu.memref_slice %arg3[%add3A_188] : memref<320000xi32, #tpu.memory_space<hbm>> -> memref<16xi32, #tpu.memory_space<hbm>>
      %dma_wait3A_274 = tpu.memref_slice %arg3[%add3A_188] : memref<320000xi32, #tpu.memory_space<hbm>> -> memref<16xi32, #tpu.memory_space<hbm>>
      tpu.wait_dma2 semaphore(%run_scoped3A : memref<!tpu.dma_semaphore, #tpu.memory_space<semaphore_mem>>) src(%dma_wait3A_274 : memref<16xi32, #tpu.memory_space<hbm>>) dst(%arg15 : memref<16xi32, #tpu.memory_space<vmem>>)
      tpu.yield
    }) : () -> ()
    %dma_start3A_189 = arith.constant 0 : i32
    %dma_start3A_190 = arith.constant 0 : i32
    %dma_start3A_191 = tpu.memref_slice %arg2[%dma_start3A_189, %dma_start3A_190] : memref<10000x128xf32, #tpu.memory_space<hbm>> -> memref<10000x128xf32, #tpu.memory_space<hbm>>
    tpu.enqueue_indirect_dma source(%dma_start3A_191 : memref<10000x128xf32, #tpu.memory_space<hbm>>) target(%arg18 : memref<16x128xf32, #tpu.memory_space<vmem>>) offsets(%arg14 : memref<16xi32, #tpu.memory_space<vmem>>) semaphore(%arg21 : memref<!tpu.dma_semaphore, #tpu.memory_space<semaphore_mem>>)
    %dma_wait3A_192 = arith.constant 0 : i32
    %dma_wait3A_193 = arith.constant 0 : i32
    %dma_wait3A_194 = tpu.memref_slice %arg2[%dma_wait3A_192, %dma_wait3A_193] : memref<10000x128xf32, #tpu.memory_space<hbm>> -> memref<10000x128xf32, #tpu.memory_space<hbm>>
    tpu.wait_indirect_dma semaphore(%arg21 : memref<!tpu.dma_semaphore, #tpu.memory_space<semaphore_mem>>) src(%dma_wait3A_194 : memref<10000x128xf32, #tpu.memory_space<hbm>>) dst(%arg18 : memref<16x128xf32, #tpu.memory_space<vmem>>)
    "tpu.region"() ({
      %run_scoped3A = tpu.sem_alloc : memref<!tpu.dma_semaphore, #tpu.memory_space<semaphore_mem>>
      %dma_start3A_271 = arith.constant 0 : i32
      %dma_start3A_272 = arith.constant 0 : i32
      %dma_start3A_273 = tpu.memref_slice %arg20[%dma_start3A_271, %dma_start3A_272] : memref<10240x128xf32, #tpu.memory_space<vmem_shared>> -> memref<10240x128xf32, #tpu.memory_space<vmem_shared>>
      tpu.enqueue_indirect_dma source(%arg18 : memref<16x128xf32, #tpu.memory_space<vmem>>) target(%dma_start3A_273 : memref<10240x128xf32, #tpu.memory_space<vmem_shared>>) offsets(%arg15 : memref<16xi32, #tpu.memory_space<vmem>>) semaphore(%run_scoped3A : memref<!tpu.dma_semaphore, #tpu.memory_space<semaphore_mem>>) {add = true}
      %dma_wait3A_274 = arith.constant 0 : i32
      %dma_wait3A_275 = arith.constant 0 : i32
      %dma_wait3A_276 = tpu.memref_slice %arg20[%dma_wait3A_274, %dma_wait3A_275] : memref<10240x128xf32, #tpu.memory_space<vmem_shared>> -> memref<10240x128xf32, #tpu.memory_space<vmem_shared>>
      tpu.wait_indirect_dma semaphore(%run_scoped3A : memref<!tpu.dma_semaphore, #tpu.memory_space<semaphore_mem>>) src(%arg18 : memref<16x128xf32, #tpu.memory_space<vmem>>) dst(%dma_wait3A_276 : memref<10240x128xf32, #tpu.memory_space<vmem_shared>>)
      tpu.yield
    }) : () -> ()
    %barrier3A_195 = arith.constant 0 : index
    tpu.barrier barrier_id(%barrier3A_195)
    %mul3A_196 = arith.constant 640 : i32
    %mul3A_197 = arith.muli %arg1, %mul3A_196 : i32
    %add3A_198 = arith.constant 0 : i32
    %add3A_199 = arith.addi %mul3A_197, %add3A_198 : i32
    %mul3A_200 = arith.constant 10240 : i32
    %mul3A_201 = arith.muli %arg0, %mul3A_200 : i32
    %add3A_202 = arith.addi %mul3A_201, %add3A_199 : i32
    %dma_start3A_203 = arith.constant 0 : i32
    %dma_start3A_204 = tpu.memref_slice %arg5[%add3A_202, %dma_start3A_203] : memref<20480x128xf32, #tpu.memory_space<hbm>> -> memref<128x128xf32, #tpu.memory_space<hbm>>
    %dma_start3A_205 = arith.constant 0 : i32
    %dma_start3A_206 = tpu.memref_slice %arg20[%add3A_199, %dma_start3A_205] : memref<10240x128xf32, #tpu.memory_space<vmem_shared>> -> memref<128x128xf32, #tpu.memory_space<vmem_shared>>
    tpu.enqueue_dma source(%dma_start3A_206 : memref<128x128xf32, #tpu.memory_space<vmem_shared>>) target(%dma_start3A_204 : memref<128x128xf32, #tpu.memory_space<hbm>>) target_semaphore(%arg21 : memref<!tpu.dma_semaphore, #tpu.memory_space<semaphore_mem>>)
    %mul3A_207 = arith.constant 640 : i32
    %mul3A_208 = arith.muli %arg1, %mul3A_207 : i32
    %add3A_209 = arith.constant 128 : i32
    %add3A_210 = arith.addi %mul3A_208, %add3A_209 : i32
    %mul3A_211 = arith.constant 10240 : i32
    %mul3A_212 = arith.muli %arg0, %mul3A_211 : i32
    %add3A_213 = arith.addi %mul3A_212, %add3A_210 : i32
    %dma_start3A_214 = arith.constant 0 : i32
    %dma_start3A_215 = tpu.memref_slice %arg5[%add3A_213, %dma_start3A_214] : memref<20480x128xf32, #tpu.memory_space<hbm>> -> memref<128x128xf32, #tpu.memory_space<hbm>>
    %dma_start3A_216 = arith.constant 0 : i32
    %dma_start3A_217 = tpu.memref_slice %arg20[%add3A_210, %dma_start3A_216] : memref<10240x128xf32, #tpu.memory_space<vmem_shared>> -> memref<128x128xf32, #tpu.memory_space<vmem_shared>>
    tpu.enqueue_dma source(%dma_start3A_217 : memref<128x128xf32, #tpu.memory_space<vmem_shared>>) target(%dma_start3A_215 : memref<128x128xf32, #tpu.memory_space<hbm>>) target_semaphore(%arg21 : memref<!tpu.dma_semaphore, #tpu.memory_space<semaphore_mem>>)
    %mul3A_218 = arith.constant 640 : i32
    %mul3A_219 = arith.muli %arg1, %mul3A_218 : i32
    %add3A_220 = arith.constant 256 : i32
    %add3A_221 = arith.addi %mul3A_219, %add3A_220 : i32
    %mul3A_222 = arith.constant 10240 : i32
    %mul3A_223 = arith.muli %arg0, %mul3A_222 : i32
    %add3A_224 = arith.addi %mul3A_223, %add3A_221 : i32
    %dma_start3A_225 = arith.constant 0 : i32
    %dma_start3A_226 = tpu.memref_slice %arg5[%add3A_224, %dma_start3A_225] : memref<20480x128xf32, #tpu.memory_space<hbm>> -> memref<128x128xf32, #tpu.memory_space<hbm>>
    %dma_start3A_227 = arith.constant 0 : i32
    %dma_start3A_228 = tpu.memref_slice %arg20[%add3A_221, %dma_start3A_227] : memref<10240x128xf32, #tpu.memory_space<vmem_shared>> -> memref<128x128xf32, #tpu.memory_space<vmem_shared>>
    tpu.enqueue_dma source(%dma_start3A_228 : memref<128x128xf32, #tpu.memory_space<vmem_shared>>) target(%dma_start3A_226 : memref<128x128xf32, #tpu.memory_space<hbm>>) target_semaphore(%arg21 : memref<!tpu.dma_semaphore, #tpu.memory_space<semaphore_mem>>)
    %mul3A_229 = arith.constant 640 : i32
    %mul3A_230 = arith.muli %arg1, %mul3A_229 : i32
    %add3A_231 = arith.constant 384 : i32
    %add3A_232 = arith.addi %mul3A_230, %add3A_231 : i32
    %mul3A_233 = arith.constant 10240 : i32
    %mul3A_234 = arith.muli %arg0, %mul3A_233 : i32
    %add3A_235 = arith.addi %mul3A_234, %add3A_232 : i32
    %dma_start3A_236 = arith.constant 0 : i32
    %dma_start3A_237 = tpu.memref_slice %arg5[%add3A_235, %dma_start3A_236] : memref<20480x128xf32, #tpu.memory_space<hbm>> -> memref<128x128xf32, #tpu.memory_space<hbm>>
    %dma_start3A_238 = arith.constant 0 : i32
    %dma_start3A_239 = tpu.memref_slice %arg20[%add3A_232, %dma_start3A_238] : memref<10240x128xf32, #tpu.memory_space<vmem_shared>> -> memref<128x128xf32, #tpu.memory_space<vmem_shared>>
    tpu.enqueue_dma source(%dma_start3A_239 : memref<128x128xf32, #tpu.memory_space<vmem_shared>>) target(%dma_start3A_237 : memref<128x128xf32, #tpu.memory_space<hbm>>) target_semaphore(%arg21 : memref<!tpu.dma_semaphore, #tpu.memory_space<semaphore_mem>>)
    %mul3A_240 = arith.constant 640 : i32
    %mul3A_241 = arith.muli %arg1, %mul3A_240 : i32
    %add3A_242 = arith.constant 512 : i32
    %add3A_243 = arith.addi %mul3A_241, %add3A_242 : i32
    %mul3A_244 = arith.constant 10240 : i32
    %mul3A_245 = arith.muli %arg0, %mul3A_244 : i32
    %add3A_246 = arith.addi %mul3A_245, %add3A_243 : i32
    %dma_start3A_247 = arith.constant 0 : i32
    %dma_start3A_248 = tpu.memref_slice %arg5[%add3A_246, %dma_start3A_247] : memref<20480x128xf32, #tpu.memory_space<hbm>> -> memref<128x128xf32, #tpu.memory_space<hbm>>
    %dma_start3A_249 = arith.constant 0 : i32
    %dma_start3A_250 = tpu.memref_slice %arg20[%add3A_243, %dma_start3A_249] : memref<10240x128xf32, #tpu.memory_space<vmem_shared>> -> memref<128x128xf32, #tpu.memory_space<vmem_shared>>
    tpu.enqueue_dma source(%dma_start3A_250 : memref<128x128xf32, #tpu.memory_space<vmem_shared>>) target(%dma_start3A_248 : memref<128x128xf32, #tpu.memory_space<hbm>>) target_semaphore(%arg21 : memref<!tpu.dma_semaphore, #tpu.memory_space<semaphore_mem>>)
    %dma_wait3A_251 = arith.constant 0 : i32
    %dma_wait3A_252 = tpu.memref_slice %arg5[%add3A_202, %dma_wait3A_251] : memref<20480x128xf32, #tpu.memory_space<hbm>> -> memref<128x128xf32, #tpu.memory_space<hbm>>
    %dma_wait3A_253 = arith.constant 0 : i32
    %dma_wait3A_254 = tpu.memref_slice %arg20[%add3A_199, %dma_wait3A_253] : memref<10240x128xf32, #tpu.memory_space<vmem_shared>> -> memref<128x128xf32, #tpu.memory_space<vmem_shared>>
    tpu.wait_dma2 semaphore(%arg21 : memref<!tpu.dma_semaphore, #tpu.memory_space<semaphore_mem>>) src(%dma_wait3A_254 : memref<128x128xf32, #tpu.memory_space<vmem_shared>>) dst(%dma_wait3A_252 : memref<128x128xf32, #tpu.memory_space<hbm>>)
    %dma_wait3A_255 = arith.constant 0 : i32
    %dma_wait3A_256 = tpu.memref_slice %arg5[%add3A_213, %dma_wait3A_255] : memref<20480x128xf32, #tpu.memory_space<hbm>> -> memref<128x128xf32, #tpu.memory_space<hbm>>
    %dma_wait3A_257 = arith.constant 0 : i32
    %dma_wait3A_258 = tpu.memref_slice %arg20[%add3A_210, %dma_wait3A_257] : memref<10240x128xf32, #tpu.memory_space<vmem_shared>> -> memref<128x128xf32, #tpu.memory_space<vmem_shared>>
    tpu.wait_dma2 semaphore(%arg21 : memref<!tpu.dma_semaphore, #tpu.memory_space<semaphore_mem>>) src(%dma_wait3A_258 : memref<128x128xf32, #tpu.memory_space<vmem_shared>>) dst(%dma_wait3A_256 : memref<128x128xf32, #tpu.memory_space<hbm>>)
    %dma_wait3A_259 = arith.constant 0 : i32
    %dma_wait3A_260 = tpu.memref_slice %arg5[%add3A_224, %dma_wait3A_259] : memref<20480x128xf32, #tpu.memory_space<hbm>> -> memref<128x128xf32, #tpu.memory_space<hbm>>
    %dma_wait3A_261 = arith.constant 0 : i32
    %dma_wait3A_262 = tpu.memref_slice %arg20[%add3A_221, %dma_wait3A_261] : memref<10240x128xf32, #tpu.memory_space<vmem_shared>> -> memref<128x128xf32, #tpu.memory_space<vmem_shared>>
    tpu.wait_dma2 semaphore(%arg21 : memref<!tpu.dma_semaphore, #tpu.memory_space<semaphore_mem>>) src(%dma_wait3A_262 : memref<128x128xf32, #tpu.memory_space<vmem_shared>>) dst(%dma_wait3A_260 : memref<128x128xf32, #tpu.memory_space<hbm>>)
    %dma_wait3A_263 = arith.constant 0 : i32
    %dma_wait3A_264 = tpu.memref_slice %arg5[%add3A_235, %dma_wait3A_263] : memref<20480x128xf32, #tpu.memory_space<hbm>> -> memref<128x128xf32, #tpu.memory_space<hbm>>
    %dma_wait3A_265 = arith.constant 0 : i32
    %dma_wait3A_266 = tpu.memref_slice %arg20[%add3A_232, %dma_wait3A_265] : memref<10240x128xf32, #tpu.memory_space<vmem_shared>> -> memref<128x128xf32, #tpu.memory_space<vmem_shared>>
    tpu.wait_dma2 semaphore(%arg21 : memref<!tpu.dma_semaphore, #tpu.memory_space<semaphore_mem>>) src(%dma_wait3A_266 : memref<128x128xf32, #tpu.memory_space<vmem_shared>>) dst(%dma_wait3A_264 : memref<128x128xf32, #tpu.memory_space<hbm>>)
    %dma_wait3A_267 = arith.constant 0 : i32
    %dma_wait3A_268 = tpu.memref_slice %arg5[%add3A_246, %dma_wait3A_267] : memref<20480x128xf32, #tpu.memory_space<hbm>> -> memref<128x128xf32, #tpu.memory_space<hbm>>
    %dma_wait3A_269 = arith.constant 0 : i32
    %dma_wait3A_270 = tpu.memref_slice %arg20[%add3A_243, %dma_wait3A_269] : memref<10240x128xf32, #tpu.memory_space<vmem_shared>> -> memref<128x128xf32, #tpu.memory_space<vmem_shared>>
    tpu.wait_dma2 semaphore(%arg21 : memref<!tpu.dma_semaphore, #tpu.memory_space<semaphore_mem>>) src(%dma_wait3A_270 : memref<128x128xf32, #tpu.memory_space<vmem_shared>>) dst(%dma_wait3A_268 : memref<128x128xf32, #tpu.memory_space<hbm>>)
    return
  }
}

module attributes {stable_mosaic.version = 14 : i64} {
  func.func @_mm_combine_body(%arg0: i32, %arg1: memref<1x1000x128xf32, #tpu.memory_space<vmem>>, %arg2: memref<1x1000x128xf32, #tpu.memory_space<vmem>>, %arg3: memref<128x128xf32, #tpu.memory_space<vmem>>, %arg4: memref<1x128xf32, #tpu.memory_space<vmem>>, %arg5: memref<1000x128xf32, #tpu.memory_space<vmem>>) attributes {dimension_semantics = [#tpu.dimension_semantics<arbitrary>], iteration_bounds = array<i64: 10>, scalar_prefetch = 0 : i64, scratch_operands = 0 : i64, tpu.core_type = #tpu.core_type<tc>, window_params = [{transform_indices = @transform_0, window_bounds = array<i64: 1, 1000, 128>}, {transform_indices = @transform_1, window_bounds = array<i64: 1, 1000, 128>}, {pipeline_mode = #tpu.pipeline_mode<synchronous>, transform_indices = @transform_2, window_bounds = array<i64: 128, 128>}, {pipeline_mode = #tpu.pipeline_mode<synchronous>, transform_indices = @transform_3, window_bounds = array<i64: 1, 128>}, {transform_indices = @transform_4, window_bounds = array<i64: 1000, 128>}]} {
    %get3A = arith.constant 0 : index
    %get3A_0 = arith.constant 0 : index
    %get3A_1 = arith.constant 0 : index
    %get3A_2 = vector.load %arg1[%get3A, %get3A_0, %get3A_1] : memref<1x1000x128xf32, #tpu.memory_space<vmem>>, vector<1x1000x128xf32>
    %get3A_3 = vector.shape_cast %get3A_2 : vector<1x1000x128xf32> to vector<1000x128xf32>
    %get3A_4 = arith.constant 0 : index
    %get3A_5 = arith.constant 0 : index
    %get3A_6 = arith.constant 0 : index
    %get3A_7 = vector.load %arg2[%get3A_4, %get3A_5, %get3A_6] : memref<1x1000x128xf32, #tpu.memory_space<vmem>>, vector<1x1000x128xf32>
    %get3A_8 = vector.shape_cast %get3A_7 : vector<1x1000x128xf32> to vector<1000x128xf32>
    %add3A = arith.addf %get3A_3, %get3A_8 : vector<1000x128xf32>
    %get3A_9 = arith.constant 0 : index
    %get3A_10 = arith.constant 0 : index
    %get3A_11 = vector.load %arg3[%get3A_9, %get3A_10] : memref<128x128xf32, #tpu.memory_space<vmem>>, vector<128x128xf32>
    %dot_general3A = arith.constant dense<0.000000e+00> : vector<1000x128xf32>
    %dot_general3A_12 = tpu.matmul %add3A, %get3A_11, %dot_general3A {dimension_numbers = #tpu.dot_dimension_numbers<[1], [0], [0], [1], [0, 0, 1, 1], [], []>, transpose_lhs_hint = false} : vector<1000x128xf32>, vector<128x128xf32>, vector<1000x128xf32> -> vector<1000x128xf32>
    %get3A_13 = arith.constant 0 : index
    %get3A_14 = arith.constant 0 : index
    %get3A_15 = vector.load %arg4[%get3A_13, %get3A_14] : memref<1x128xf32, #tpu.memory_space<vmem>>, vector<1x128xf32>
    %add3A_16 = vector.broadcast %get3A_15 : vector<1x128xf32> to vector<1000x128xf32>
    %add3A_17 = arith.addf %dot_general3A_12, %add3A_16 : vector<1000x128xf32>
    %swap3A = arith.constant 0 : index
    %swap3A_18 = arith.constant 0 : index
    %swap3A_19 = vector.load %arg5[%swap3A, %swap3A_18] : memref<1000x128xf32, #tpu.memory_space<vmem>>, vector<1000x128xf32>
    tpu.vector_store %arg5[%swap3A, %swap3A_18], %add3A_17 {strides = array<i32>} : memref<1000x128xf32, #tpu.memory_space<vmem>>, vector<1000x128xf32>,
    return
  }
  func.func @transform_0(%arg0: i32) -> (i32, i32, i32) {
    %c0_i32 = arith.constant 0 : i32
    %c0_i32_0 = arith.constant 0 : i32
    %c0_i32_1 = arith.constant 0 : i32
    return %c0_i32, %arg0, %c0_i32_0 : i32, i32, i32
  }
  func.func @transform_1(%arg0: i32) -> (i32, i32, i32) {
    %c1_i32 = arith.constant 1 : i32
    %c0_i32 = arith.constant 0 : i32
    %c0_i32_0 = arith.constant 0 : i32
    return %c1_i32, %arg0, %c0_i32 : i32, i32, i32
  }
  func.func @transform_2(%arg0: i32) -> (i32, i32) {
    %c0_i32 = arith.constant 0 : i32
    %c0_i32_0 = arith.constant 0 : i32
    %c0_i32_1 = arith.constant 0 : i32
    return %c0_i32, %c0_i32_0 : i32, i32
  }
  func.func @transform_3(%arg0: i32) -> (i32, i32) {
    %c0_i32 = arith.constant 0 : i32
    %c0_i32_0 = arith.constant 0 : i32
    %c0_i32_1 = arith.constant 0 : i32
    return %c0_i32, %c0_i32_0 : i32, i32
  }
  func.func @transform_4(%arg0: i32) -> (i32, i32) {
    %c0_i32 = arith.constant 0 : i32
    %c0_i32_0 = arith.constant 0 : i32
    return %arg0, %c0_i32 : i32, i32
  }
}

</mosaic_0001>

<sc_bundles>
// kernel: kernel.4.cloned.1.call-start
scs
__scs_entry_jumppad:
0x0: {  	(pc) =	sbr.rel $0x88, $3  }
0x1: {  	(tag) =	ssettag $0x0;
	lr =	simm.s32 $0x1  }
0x2: {  	[smem:$0x3F9D] =	sst lr;
	_ =	strace $0xD0000000  }
0x3: {  	_ = 	snop  }
0x4: {  	_ = 	snop  }
0x5: {  	_ = 	snop  }
0x6: {  	_ = 	snop  }
0x7: {  	_ = 	snop  }
__scs_overlays_trampoline_lowered:
0x8: {  	[smem:$0x3FAC] =	sst s0  }
0x9: {  	[smem:$0x3FAD] =	sst s1  }
0xa: {  	[smem:$0x3FAE] =	sst s2  }
0xb: {  	[smem:$0x3FAF] =	sst s3  }
0xc: {  	[smem:$0x3FB0] =	sst s4  }
0xd: {  	[smem:$0x3FB1] =	sst s5  }
0xe: {  	[smem:$0x3FB2] =	sst s6  }
0xf: {  	[smem:$0x3FB3] =	sst s7  }
0x10: {  	[smem:$0x3FB4] =	sst s8  }
0x11: {  	[smem:$0x3FB5] =	sst s9;
	s0 =	simm.s32 @!p0 $0x0  }
0x12: {  	s1 =	sld [smem:$0x3F9B];
	s0 =	simm.s32 @p0 $0x1  }
0x13: {  	[smem:$0x3FB6] =	sst s0;
	s0 =	simm.s32 @!p1 $0x0  }
0x14: {  	s2 =	sld [smem:$0x3F9A];
	s0 =	simm.s32 @p1 $0x1  }
0x15: {  	[smem:$0x3FB7] =	sst s0;
	s0 =	simm.s32 @!p2 $0x0  }
0x16: {  	s3 =	sld [smem:$0x3FDB];
	s0 =	simm.s32 @p2 $0x1  }
0x17: {  	s4 =	simm.s32 $0x1BF5;
	[smem:$0x3FB9] =	sst s0  }
0x18: {  	s0 =	sld [smem:$0x3F9C];
	_ =	swait.ge [sflag:s4], $0x0  }
0x19: {  	s7 =	sld [smem:$0x3F9D]  }
0x1a: {  	s8 =	sadd.s32 $0xFFFFE003, lr  }
0x1b: {  	s9 =	sadd.s32 $0xFFFFFEF7, lr;
	s5 =	simm.s32 $0xFFFFFFFF;
	p2 =	slt.u32 s8, $0xFFFFF086  }
0x1c: {  	p1 =	slt.u32 s9, $0xF7A;
	s5 =	simm.s32 @!p2 $0x0  }
0x1d: {  	s5 =	simm.s32 @p1 $0x1;
	p0 =	seq.s32 s7, s2  }
0x1e: {  	s7 =	smul.u32 @!p0 $0xF7A, s2;
	p2 =	seq.s32 @!p0 s5, $0x0  }
0x1f: {  	s9 =	smul.u32 $0xF7A, s1;
	s8 =	simm.s32 @!p0 $0x1BF5;
	p2 =	por !p2, p0  }
0x20: {  	[sflag:s8] =	ssyncset.s32 @!p0 $0xFFFFF086;
	s6 =	sadd.s32 @!p0 s3, s7;
	s7 =	simm.s32 @!p0 $0x108  }
0x21: {  	s3 =	sadd.s32 s3, s9;
	s6 =	sadd.s32 @!p0 $0x88, s6;
	s7 =	simm.s32 @p2 $0x1082  }
0x22: {  	[simem:s7], [sflag:s8] =	dma.local @!p0 [hbm:s6], $0xF7A  }
0x23: {  	s9 =	sor.u32 $0xD0000000, s2;
	s6 =	simm.s32 $0x108;
	_ =	swait.ge @!p0 [sflag:s8], $0x0  }
0x24: {  	s3 =	sadd.s32 $0x88, s3;
	s6 =	simm.s32 @!p1 $0x1082;
	[sflag:s4] =	ssyncset.s32 $0xFFFFF086  }
0x25: {  	[simem:s6], [sflag:s4] =	dma.local [hbm:s3], $0xF7A  }
0x26: {  	[smem:$0x3F9D] =	sst s1;
	(tag) =	ssettag s2;
	_ =	strace s9  }
0x27: {  	s1 =	sld [smem:$0x3FAD]  }
0x28: {  	s2 =	sld [smem:$0x3FAE]  }
0x29: {  	s4 =	sld [smem:$0x3FB0]  }
0x2a: {  	p0 =	seq.s32 s5, $0x0;
	s5 =	sld [smem:$0x3FB1]  }
0x2b: {  	s6 =	sld [smem:$0x3FB2]  }
0x2c: {  	s7 =	sld [smem:$0x3FB3]  }
0x2d: {  	s3 =	simm.s32 $0x108;
	s8 =	sld [smem:$0x3FB4]  }
0x2e: {  	s3 =	simm.s32 @!p0 $0x1082;
	s9 =	sld [smem:$0x3FB5]  }
0x2f: {  	lr =	sadd.s32 s0, s3;
	s0 =	sld [smem:$0x3FAC]  }
0x30: {  	s3 =	sld [smem:$0x3FAF]  }
0x31: {  	[smem:$0x3FB8] =	sst s10  }
0x32: {  	s10 =	sld [smem:$0x3FB6];
	_ =	sdelay $0x3  }
0x33: {  	p0 =	seq.s32 s10, $0x1;
	s10 =	sld [smem:$0x3FB8];
	_ =	sdelay $0x3  }
0x34: {  	[smem:$0x3FB8] =	sst s10  }
0x35: {  	s10 =	sld [smem:$0x3FB7];
	_ =	sdelay $0x3  }
0x36: {  	p1 =	seq.s32 s10, $0x1;
	s10 =	sld [smem:$0x3FB8];
	_ =	sdelay $0x3  }
0x37: {  	[smem:$0x3FB8] =	sst s10  }
0x38: {  	s10 =	sld [smem:$0x3FB9]  }
0x39: {  	_ = 	snop;
	(pc) =	sbr.ind lr, $3  }
0x3a: {  	_ = 	snop  }
0x3b: {  	_ = 	snop  }
0x3c: {  	p2 =	seq.s32 s10, $0x1;
	s10 =	sld [smem:$0x3FB8]  }
0x3d: {  	_ =	shalt  }
0x3e: {  	_ =	shalt  }
0x3f: {  	_ =	shalt  }
0x40: {  	_ =	shalt  }
0x41: {  	_ =	shalt  }
0x42: {  	_ =	shalt  }
0x43: {  	_ =	shalt  }
0x44: {  	_ =	shalt  }
0x45: {  	_ =	shalt  }
0x46: {  	_ =	shalt  }
0x47: {  	_ =	shalt  }
0x48: {  	_ =	shalt  }
0x49: {  	_ =	shalt  }
0x4a: {  	_ =	shalt  }
0x4b: {  	_ =	shalt  }
0x4c: {  	_ =	shalt  }
0x4d: {  	_ =	shalt  }
0x4e: {  	_ =	shalt  }
0x4f: {  	_ =	shalt  }
0x50: {  	_ =	shalt  }
0x51: {  	_ =	shalt  }
0x52: {  	_ =	shalt  }
0x53: {  	_ =	shalt  }
0x54: {  	_ =	shalt  }
0x55: {  	_ =	shalt  }
0x56: {  	_ =	shalt  }
0x57: {  	_ =	shalt  }
0x58: {  	_ =	shalt  }
0x59: {  	_ =	shalt  }
0x5a: {  	_ =	shalt  }
0x5b: {  	_ =	shalt  }
0x5c: {  	_ =	shalt  }
0x5d: {  	_ =	shalt  }
0x5e: {  	_ =	shalt  }
0x5f: {  	_ =	shalt  }
0x60: {  	_ =	shalt  }
0x61: {  	_ =	shalt  }
0x62: {  	_ =	shalt  }
0x63: {  	_ =	shalt  }
0x64: {  	_ =	shalt  }
0x65: {  	_ =	shalt  }
0x66: {  	_ =	shalt  }
0x67: {  	_ =	shalt  }
0x68: {  	_ =	shalt  }
0x69: {  	_ =	shalt  }
0x6a: {  	_ =	shalt  }
0x6b: {  	_ =	shalt  }
0x6c: {  	_ =	shalt  }
0x6d: {  	_ =	shalt  }
0x6e: {  	_ =	shalt  }
0x6f: {  	_ =	shalt  }
0x70: {  	_ =	shalt  }
0x71: {  	_ =	shalt  }
0x72: {  	_ =	shalt  }
0x73: {  	_ =	shalt  }
0x74: {  	_ =	shalt  }
0x75: {  	_ =	shalt  }
0x76: {  	_ =	shalt  }
0x77: {  	_ =	shalt  }
0x78: {  	_ =	shalt  }
0x79: {  	_ =	shalt  }
0x7a: {  	_ =	shalt  }
0x7b: {  	_ =	shalt  }
0x7c: {  	_ =	shalt  }
0x7d: {  	_ =	shalt  }
0x7e: {  	_ =	shalt  }
0x7f: {  	_ =	shalt  }
0x80: {  	_ =	shalt  }
0x81: {  	_ =	shalt  }
0x82: {  	_ =	shalt  }
0x83: {  	_ =	shalt  }
0x84: {  	_ =	shalt  }
0x85: {  	_ =	shalt  }
0x86: {  	_ =	shalt  }
0x87: {  	_ =	shalt  }
.Lfunc_end0:
.L_simem_size_0:
called_computation_lowered:
.L_overlay_start_0:
0x88: {  	s2 =	sld [smem:$0x3FD9]  }
0x89: {  	s3 =	sld [smem:$0x3FFE];
	_ =	sdelay $0x1  }
0x8a: {  	s1 =	srdreg.scid  }
0x8b: {  	s0 =	sand.u32 $0x1, s1  }
0x8c: {  	s17 =	sshll.u32 s0, $0xA;
	s2 =	sadd.s32 s3, s2  }
0x8d: {  	s2 =	sadd.s32 s2, s17  }
0x8e: {  	[smem:$0x3FC4] =	sst s2  }
0x8f: {  	_ = 	snop  }
0x90: {  	s2 =	sld [smem:$0x3FC9]  }
0x91: {  	s18 =	sld [smem:$0x3FD0];
	(tm) =	ssettm $0x1  }
0x92: {  	s4 =	sld [smem:$0x3FFB];
	_ =	sdelay $0x3  }
0x93: {  	_ =	strace s4  }
0x94: {  	s4 =	sld [smem:$0x3FFC];
	_ =	sdelay $0x3  }
0x95: {  	_ =	strace s4  }
0x96: {  	s4 =	sld [smem:$0x3FFD];
	_ =	sdelay $0x3  }
0x97: {  	_ =	strace s4  }
0x98: {  	_ =	strace $0x8FFFFFFF  }
0x99: {  	s19 =	sld [smem:$0x3FDB];
	_ =	sdelay $0x1  }
0x9a: {  	s5 =	simm.s32 $_scs_section_size  }
0x9b: {  	s6 =	simm.s32 $_size__tile_overlayer_lowered;
	s7 =	simm.s32 $_tile_overlayer_lowered  }
0x9c: {  	s22 =	simm.s32 $0x1BFF;
	s21 =	sshll.u32 s7, $0x1;
	s4 =	sadd.s32 s5, s19  }
0x9d: {  	s8 =	simm.s32 $0x0;
	s20 =	sshll.u32 s6, $0x1;
	s6 =	sadd.s32 s21, s4  }
0x9e: {  	[timem:s8], [sflag:s22] =	dma.local [hbm:s6], s20  }
0x9f: {  	_ =	swait.ge [sflag:s22], s20  }
0xa0: {  	s5 =	ssub.s32 $0x0, s20;
	[sflag:s22] =	ssyncset.done $0x0  }
0xa1: {  	[sflag:s22] =	ssyncadd.s32 s5;
	_ =	sdelay $0x1  }
0xa2: {  	s23 =	simm.s32 $0x1B8B  }
0xa3: {  	_ =	swait.ge [sflag:s23], $0x1  }
0xa4: {  	[sflag:s23] =	ssyncset.done $0x0  }
0xa5: {  	s25 =	simm.s32 $0x1B8E;
	s24 =	sld [smem:$0x3FFE];
	[sflag:s23] =	ssyncadd.s32 $0xFFFFFFFF  }
0xa6: {  	s26 =	simm.s32 $execute0_lowered;
	[smem:$0x3FD2] =	sst s25  }
0xa7: {  	s6 =	sshll.u32 s26, $0x1;
	_ =	strace $0x80000046;
	[dreg:$0x1] =	wrdreg $0xFFFFFFFF  }
0xa8: {  	s28 =	simm.s32 $_size_execute0_lowered;
	s4 =	sadd.s32 s4, s6;
	[dreg:$0x0] =	wrdreg $0x0  }
0xa9: {  	s6 =	sshll.u32 s28, $0x1;
	[dreg:$0x2] =	wrdreg s4  }
0xaa: {  	[dreg:$0x3] =	wrdreg s6  }
0xab: {  	[dreg:$0x4] =	wrdreg $0xC0  }
0xac: {  	_ =	task [dreg:s8], $0x5FFFF  }
0xad: {  	[dreg:$0x1] =	wrdreg $0xFFFFFFFF  }
0xae: {  	[dreg:$0x0] =	wrdreg $0x60  }
0xaf: {  	[dreg:$0x2] =	wrdreg s2  }
0xb0: {  	[dreg:$0x3] =	wrdreg s24  }
0xb1: {  	[dreg:$0x4] =	wrdreg s18  }
0xb2: {  	[dreg:$0x5] =	wrdreg $0xAD000  }
0xb3: {  	[dreg:$0x6] =	wrdreg $0x9  }
0xb4: {  	_ =	task.clear_ibuf [dreg:s8], $0x7FFFF;
	_ =	strace $0x90000046  }
0xb5: {  	s29 =	simm.s32 $0x9;
	_ =	strace $0x80000048  }
0xb6: {  	_ =	swait.ge [sflag:s29], $0x1  }
0xb7: {  	[sflag:s29] =	ssyncadd.s32 $0xFFFFFFFF  }
0xb8: {  	_ =	strace $0x90000048  }
0xb9: {  	_ =	sfence  }
0xba: {  	s30 =	sld [smem:$0x0];
	_ =	sdelay $0x2  }
0xbb: {  	s31 =	sshll.u32 s1, $0xD;
	s1 =	sshrl.u32 s1, $0x2  }
0xbc: {  	s3 =	sand.u32 $0x4000, s31;
	s1 =	sadd.s32 s1, s30  }
0xbd: {  	s0 =	sor.u32 s3, s0;
	s1 =	sshll.u32 s1, $0x11  }
0xbe: {  	s0 =	sor.u32 s1, s0  }
0xbf: {  	s0 =	sadd.s32 $0x8F2B, s0  }
0xc0: {  	[sflag:s0] =	ssyncadd.remote.s32 $0x1  }
0xc1: {  	_ =	sfence.sel $0xFFFF  }
0xc2: {  	[dreg:$0x0] =	wrdreg $0xFFFFFFFF;
	(pc) =	sbr.abs _section_cstart, $3  }
0xc3: {  	[dreg:$0x1] =	wrdreg $0xFFFFFFFF  }
0xc4: {  	_ =	task.clear_ibuf [dreg:s8], $0x2FFFF;
	_ =	strace $0x9FFFFFFF  }
0xc5: {  	(tm) =	ssettm $0x7FFFFFFF  }
tec
execute0_lowered:
.L_overlay_start_1:
0x0: {  	(tag) =	ssettag $0x1  }
0x1: {  	s0 =	rddreg [dreg:$0x0]  }
0x2: {  	s2 =	rddreg [dreg:$0x1]  }
0x3: {  	s1 =	srdreg.scid;
	s3 =	rddreg [dreg:$0x2]  }
0x4: {  	s4 =	rddreg [dreg:$0x3];
	s19 =	stileid.u32  }
0x5: {  	s5 =	simm.s32 $0x0;
	s28 =	simm.s32 $0x4;
	s29 =	simm.s32 $0x4500  }
0x6: {  	s30 =	simm.s32 $0x8D00;
	s31 =	simm.s32 $0x5;
	s7 =	sand.u32 $0x1, s1  }
0x7: {  	[smem:$0x7FF] =	sst s5;
	s6 =	sadd.s32 $0x200, s2;
	s26 =	smul.u32 $0x280, s19  }
0x8: {  	s9 =	sadd.s32 $0xA000, s2;
	s18 =	smul.u32 $0x2710, s19;
	s1 =	sshll.u32 s7, $0x4  }
0x9: {  	_ =	strace $0x80000047;
	s8 =	ssub.s32 $0x2, s7;
	s11 =	smul.u32 $0x2800, s7  }
0xa: {  	s7 =	smul.u32 $0x27100, s7;
	s1 =	sor.u32 s19, s1;
	s24 =	sshrl.u32 s8, $0x1  }
0xb: {  	s13 =	sadd.s32 $0x100, s26;
	s14 =	sadd.s32 $0x180, s26;
	s15 =	sadd.s32 $0x200, s26  }
0xc: {  	s1 =	smul.u32 $0x2710, s1;
	s2 =	ssub.s32 s8, s24;
	s8 =	sadd.s32 s26, s11  }
0xd: {  	s17 =	sadd.s32 s11, s13;
	s20 =	sadd.s32 s11, s14;
	s7 =	sadd.s32 s18, s7  }
0xe: {  	s18 =	smul.u32 $0x50000, s19;
	s8 =	sshll.u32 s8, $0x4;
	s17 =	sshll.u32 s17, $0x4  }
0xf: {  	s21 =	sadd.s32 $0x280, s7;
	s1 =	sshrl.u32 s1, $0x3;
	s8 =	sadd.s32 s9, s8  }
0x10: {  	s23 =	sshrl.u32 s21, $0x3;
	[dreg:$0xd] =	wrdreg s8;
	s8 =	sadd.s32 s9, s17  }
0x11: {  	s10 =	sadd.s32 $0x20, s1;
	s24 =	sadd.s32 s23, s6;
	[dreg:$0xf] =	wrdreg s8  }
0x12: {  	s25 =	sadd.s32 s3, s10;
	s10 =	sadd.s32 s6, s10;
	[dreg:$0x5] =	wrdreg s24  }
0x13: {  	s8 =	sshll.u32 s20, $0x4;
	s20 =	sadd.s32 $0x30, s1;
	[dreg:$0xa] =	wrdreg s25  }
0x14: {  	s24 =	sshll.u32 s13, $0x7;
	[dreg:$0xb] =	wrdreg s10;
	s8 =	sadd.s32 s9, s8  }
0x15: {  	s10 =	sadd.s32 $0x10, s1;
	s21 =	sadd.s32 s3, s20;
	[dreg:$0x10] =	wrdreg s8  }
0x16: {  	s13 =	sadd.s32 $0x4D0, s1;
	s12 =	sadd.s32 s3, s10;
	[dreg:$0x13] =	wrdreg s21  }
0x17: {  	s25 =	sadd.s32 $0x380, s7;
	s10 =	sadd.s32 s6, s10;
	[dreg:$0xc] =	wrdreg s12  }
0x18: {  	s12 =	sadd.s32 $0x80, s26;
	s26 =	sadd.s32 s23, s3;
	[dreg:$0x12] =	wrdreg s10  }
0x19: {  	s10 =	sshll.u32 s15, $0x7;
	s16 =	sadd.s32 s11, s12;
	s11 =	sadd.s32 s11, s15  }
0x1a: {  	[dreg:$0x6] =	wrdreg s26;
	s26 =	sshll.u32 s14, $0x7;
	s14 =	sadd.s32 s3, s13  }
0x1b: {  	s15 =	sadd.s32 s3, s1;
	s16 =	sshll.u32 s16, $0x4;
	[dreg:$0x19] =	wrdreg s14  }
0x1c: {  	s22 =	sshll.u32 s11, $0x4;
	[dreg:$0x1b] =	wrdreg s15;
	s16 =	sadd.s32 s9, s16  }
0x1d: {  	s23 =	sshll.u32 s12, $0x7;
	s8 =	sadd.s32 s9, s22;
	[dreg:$0xe] =	wrdreg s16  }
0x1e: {  	s9 =	sshrl.u32 s25, $0x3;
	s25 =	sadd.s32 s24, s4;
	[dreg:$0x11] =	wrdreg s8  }
0x1f: {  	s14 =	simm.s32 $0x80;
	s11 =	sadd.s32 s9, s6;
	[dreg:$0x15] =	wrdreg s25  }
0x20: {  	s22 =	sshrl.u32 s18, $0x2;
	s17 =	sadd.s32 s9, s3;
	[dreg:$0x7] =	wrdreg s11  }
0x21: {  	s16 =	sadd.s32 $0x300, s7;
	s8 =	sadd.s32 s6, s20;
	[dreg:$0x8] =	wrdreg s17  }
0x22: {  	s18 =	sadd.s32 s22, s4;
	[dreg:$0x14] =	wrdreg s8;
	s8 =	sadd.s32 s26, s4  }
0x23: {  	s9 =	sshrl.u32 s16, $0x3;
	s16 =	sadd.s32 s6, s1;
	[dreg:$0x16] =	wrdreg s8  }
0x24: {  	s15 =	simm.s32 $0x180;
	s21 =	sadd.s32 $0x2000, s18;
	[dreg:$0x1c] =	wrdreg s16  }
0x25: {  	s20 =	sadd.s32 s23, s4;
	s23 =	sadd.s32 $0x6000, s18;
	[smem:$0x7F9] =	sst s21  }
0x26: {  	s22 =	sadd.s32 s10, s4;
	s24 =	sadd.s32 $0xA000, s18;
	[smem:$0x7FA] =	sst s23  }
0x27: {  	s11 =	sadd.s32 $0x4C0, s1;
	s25 =	sadd.s32 $0xE000, s18;
	[smem:$0x7FB] =	sst s24  }
0x28: {  	s1 =	sadd.s32 $0x4E0, s1;
	s26 =	sadd.s32 $0x12000, s18;
	[smem:$0x7FC] =	sst s25  }
0x29: {  	s19 =	sadd.s32 s9, s6;
	s12 =	sadd.s32 s3, s11;
	[smem:$0x7FD] =	sst s26  }
0x2a: {  	s10 =	sadd.s32 s6, s11;
	s8 =	sadd.s32 s6, s13;
	[dreg:$0x9] =	wrdreg s19  }
0x2b: {  	s17 =	sadd.s32 s3, s1;
	s1 =	sadd.s32 s6, s1;
	[dreg:$0x17] =	wrdreg s12  }
0x2c: {  	s13 =	simm.s32 $0x100;
	s16 =	simm.s32 $0x3;
	[dreg:$0x18] =	wrdreg s10  }
0x2d: {  	s23 =	simm.s32 $0x200;
	s24 =	simm.s32 $0x300;
	[dreg:$0x1a] =	wrdreg s8  }
0x2e: {  	s25 =	simm.s32 $0x280;
	s26 =	simm.s32 $0x380;
	[dreg:$0x1d] =	wrdreg s17  }
0x2f: {  	[dreg:$0x1e] =	wrdreg s1;
	s19 =	smax.u32 s2, $0x1;
	s2 =	sadd.s32 $0x200, s7  }
0x30: {  	s7 =	sadd.s32 s9, s3;
	s17 =	simm.s32 $0x500;
	s1 =	simm.s32 $0x1  }
0x31: {  	v0 =	vimm.f32 $0.0e+00;
	s8 =	simm.s32 $0x2;
	s9 =	simm.s32 $0x0;
	[dreg:$0x1f] =	wrdreg s19  }
.LBB2_1:
0x32: {  	s10 =	rddreg [dreg:$0x1b]  }
0x33: {  	[tilespmem:s5], [sflag:$0x3] =	stream.linear.gather [hbm4b:s10+s5], $0x80, $0x38;
	[tilespmem:$0x1ED00] =	vst v63  }
0x34: {  	s11 =	rddreg [dreg:$0x1c]  }
0x35: {  	[tilespmem:s13], [sflag:$0x3] =	stream.linear.gather [hbm4b:s11+s5], $0x80, $0x38;
	[tilespmem:$0x1ED00] =	vst v63  }
0x36: {  	s12 =	rddreg [dreg:$0xa]  }
0x37: {  	[tilespmem:s14], [sflag:$0x3] =	stream.linear.gather [hbm4b:s12+s5], $0x80, $0x38;
	[tilespmem:$0x1ED00] =	vst v63  }
0x38: {  	s19 =	rddreg [dreg:$0xb]  }
0x39: {  	[tilespmem:s15], [sflag:$0x3] =	stream.linear.gather [hbm4b:s19+s5], $0x80, $0x38;
	[tilespmem:$0x1ED00] =	vst v63  }
0x3a: {  	_ =	swait.ge [sflag:s16], $0x80  }
0x3b: {  	[sflag:s16] =	ssyncset.done $0x0  }
0x3c: {  	[sflag:s16] =	ssyncadd.s32 $0xFFFFFF80  }
0x3d: {  	_ =	swait.ge [sflag:s16], $0x80  }
0x3e: {  	[sflag:s16] =	ssyncset.done $0x0  }
0x3f: {  	[sflag:s16] =	ssyncadd.s32 $0xFFFFFF80  }
0x40: {  	[tilespmem:s17], [sflag:$0x1] =	stream.indirect.gather [hbm4b:s0+s14], $0x80, s5, s14, $0xb8;
	[tilespmem:$0x1ED00] =	vst v63  }
0x41: {  	s21 =	rddreg [dreg:$0xc]  }
0x42: {  	[tilespmem:s23], [sflag:$0x4] =	stream.linear.gather [hbm4b:s21+s5], $0x80, $0x38;
	[tilespmem:$0x1ED00] =	vst v63  }
0x43: {  	s11 =	rddreg [dreg:$0x12]  }
0x44: {  	[tilespmem:s24], [sflag:$0x4] =	stream.linear.gather [hbm4b:s11+s5], $0x80, $0x38;
	[tilespmem:$0x1ED00] =	vst v63  }
0x45: {  	s12 =	rddreg [dreg:$0x13]  }
0x46: {  	[tilespmem:s25], [sflag:$0x4] =	stream.linear.gather [hbm4b:s12+s5], $0x80, $0x38;
	[tilespmem:$0x1ED00] =	vst v63  }
0x47: {  	s19 =	rddreg [dreg:$0x14]  }
0x48: {  	[tilespmem:s26], [sflag:$0x4] =	stream.linear.gather [hbm4b:s19+s5], $0x80, $0x38;
	[tilespmem:$0x1ED00] =	vst v63  }
0x49: {  	_ =	swait.ge [sflag:s28], $0x80  }
0x4a: {  	[sflag:s28] =	ssyncset.done $0x0  }
0x4b: {  	[sflag:s28] =	ssyncadd.s32 $0xFFFFFF80  }
0x4c: {  	s10 =	simm.s32 $0x40;
	s21 =	sand.u32 $0x7E00, s5;
	_ =	swait.ge [sflag:s28], $0x80  }
0x4d: {  	s11 =	sand.u32 $0x70, s5;
	s12 =	sshrl.u32 s21, $0x2;
	[sflag:s28] =	ssyncset.done $0x0  }
0x4e: {  	s12 =	sor.u32 s11, s12;
	s11 =	simm.s32 $0x0;
	[sflag:s28] =	ssyncadd.s32 $0xFFFFFF80  }
0x4f: {  	[tilespmem:s29], [sflag:$0x2] =	stream.indirect.gather [hbm4b:s0+s14], $0x80, s23, s14, $0xb8;
	[tilespmem:$0x1ED00] =	vst v63  }
.LBB2_2:
0x50: {  	p0 =	sne.s32 s10, $0x7FC0  }
0x51: {  	[tilespmem:s12+$0x8D00] =	vst v0;
	s11 =	sadd.s32 $0x10, s11;
	s12 =	smov.u32 s10;
	s10 =	sadd.s32 $0x40, s10  }
.Ltmp0:
0x52: {  	(pc) =	sbr.rel @p0 .LBB2_2-.Ltmp0, $4  }
0x53: {  	_ = 	snop  }
0x54: {  	s12 =	sand.u32 $0x7E00, s12  }
0x55: {  	s19 =	sand.u32 $0x70, s11;
	s12 =	sshrl.u32 s12, $0x2  }
0x56: {  	s12 =	sor.u32 s19, s12  }
0x57: {  	[tilespmem:s12+$0x8D00] =	vst v0  }
0x58: {  	[spmem:s18] =	stream.linear.scatter [tilespmem:s30], [sflag:$0x5], $0x2000, $0x38;
	[tilespmem:$0x1ED00] =	vst v63  }
0x59: {  	_ =	swait.ge [sflag:s31], $0x2000  }
0x5a: {  	s10 =	sld [smem:$0x7F9]  }
0x5b: {  	[sflag:s31] =	ssyncset.done $0x0  }
0x5c: {  	[sflag:s31] =	ssyncadd.s32 $0xFFFFE000  }
0x5d: {  	[spmem:s10] =	stream.linear.scatter [tilespmem:s30], [sflag:$0x5], $0x2000, $0x38;
	[tilespmem:$0x1ED00] =	vst v63  }
0x5e: {  	_ =	swait.ge [sflag:s31], $0x2000  }
0x5f: {  	[sflag:s31] =	ssyncset.done $0x0  }
0x60: {  	[sflag:s31] =	ssyncadd.s32 $0xFFFFE000  }
0x61: {  	[spmem:s20] =	stream.linear.scatter [tilespmem:s30], [sflag:$0x5], $0x2000, $0x38;
	[tilespmem:$0x1ED00] =	vst v63  }
0x62: {  	_ =	swait.ge [sflag:s31], $0x2000  }
0x63: {  	s12 =	sld [smem:$0x7FA]  }
0x64: {  	[sflag:s31] =	ssyncset.done $0x0  }
0x65: {  	[sflag:s31] =	ssyncadd.s32 $0xFFFFE000  }
0x66: {  	[spmem:s12] =	stream.linear.scatter [tilespmem:s30], [sflag:$0x5], $0x2000, $0x38;
	[tilespmem:$0x1ED00] =	vst v63  }
0x67: {  	_ =	swait.ge [sflag:s31], $0x2000  }
0x68: {  	[sflag:s31] =	ssyncset.done $0x0  }
0x69: {  	s19 =	rddreg [dreg:$0x15];
	[sflag:s31] =	ssyncadd.s32 $0xFFFFE000  }
0x6a: {  	[spmem:s19] =	stream.linear.scatter [tilespmem:s30], [sflag:$0x5], $0x2000, $0x38;
	[tilespmem:$0x1ED00] =	vst v63  }
0x6b: {  	_ =	swait.ge [sflag:s31], $0x2000  }
0x6c: {  	s21 =	smov.u32 s20;
	s20 =	sld [smem:$0x7FB]  }
0x6d: {  	[sflag:s31] =	ssyncset.done $0x0  }
0x6e: {  	[sflag:s31] =	ssyncadd.s32 $0xFFFFE000  }
0x6f: {  	[spmem:s20] =	stream.linear.scatter [tilespmem:s30], [sflag:$0x5], $0x2000, $0x38;
	[tilespmem:$0x1ED00] =	vst v63  }
0x70: {  	_ =	swait.ge [sflag:s31], $0x2000  }
0x71: {  	[sflag:s31] =	ssyncset.done $0x0  }
0x72: {  	s11 =	rddreg [dreg:$0x16];
	[sflag:s31] =	ssyncadd.s32 $0xFFFFE000  }
0x73: {  	[spmem:s11] =	stream.linear.scatter [tilespmem:s30], [sflag:$0x5], $0x2000, $0x38;
	[tilespmem:$0x1ED00] =	vst v63  }
0x74: {  	_ =	swait.ge [sflag:s31], $0x2000  }
0x75: {  	s12 =	sld [smem:$0x7FC]  }
0x76: {  	[sflag:s31] =	ssyncset.done $0x0  }
0x77: {  	[sflag:s31] =	ssyncadd.s32 $0xFFFFE000  }
0x78: {  	[spmem:s12] =	stream.linear.scatter [tilespmem:s30], [sflag:$0x5], $0x2000, $0x38;
	[tilespmem:$0x1ED00] =	vst v63  }
0x79: {  	_ =	swait.ge [sflag:s31], $0x2000  }
0x7a: {  	[sflag:s31] =	ssyncset.done $0x0  }
0x7b: {  	[sflag:s31] =	ssyncadd.s32 $0xFFFFE000  }
0x7c: {  	[spmem:s22] =	stream.linear.scatter [tilespmem:s30], [sflag:$0x5], $0x2000, $0x38;
	[tilespmem:$0x1ED00] =	vst v63  }
0x7d: {  	_ =	swait.ge [sflag:s31], $0x2000  }
0x7e: {  	s19 =	sld [smem:$0x7FD]  }
0x7f: {  	[sflag:s31] =	ssyncset.done $0x0  }
0x80: {  	[sflag:s31] =	ssyncadd.s32 $0xFFFFE000  }
0x81: {  	[spmem:s19] =	stream.linear.scatter [tilespmem:s30], [sflag:$0x5], $0x2000, $0x38;
	[tilespmem:$0x1ED00] =	vst v63  }
0x82: {  	_ =	swait.ge [sflag:s31], $0x2000  }
0x83: {  	[sflag:s31] =	ssyncset.done $0x0  }
0x84: {  	[sflag:s31] =	ssyncadd.s32 $0xFFFFE000  }
0x85: {  	[bflag:$0x0] =	sbarrier.arrive $0xFFFF  }
0x86: {  	_ =	swait.ge [sflag:s1], $0x4000  }
0x87: {  	[sflag:s1] =	ssyncset.done $0x0  }
0x88: {  	[sflag:s1] =	ssyncadd.s32 $0xFFFFC000  }
0x89: {  	[spmem:s4] =	stream.indirect.scatter.add.f32 [tilespmem:s17], [sflag:$0x5], $0x80, s13, s14, $0xb8;
	[tilespmem:$0x1ED00] =	vst v63  }
0x8a: {  	_ =	swait.ge [sflag:s31], $0x4000  }
0x8b: {  	[sflag:s31] =	ssyncset.done $0x0  }
0x8c: {  	[sflag:s31] =	ssyncadd.s32 $0xFFFFC000  }
0x8d: {  	_ =	swait.ge [sflag:s16], $0x80  }
0x8e: {  	[sflag:s16] =	ssyncset.done $0x0  }
0x8f: {  	[sflag:s16] =	ssyncadd.s32 $0xFFFFFF80  }
0x90: {  	_ =	swait.ge [sflag:s16], $0x80  }
0x91: {  	[sflag:s16] =	ssyncset.done $0x0  }
0x92: {  	s20 =	sshrl.u32 s2, $0x3;
	[sflag:s16] =	ssyncadd.s32 $0xFFFFFF80  }
0x93: {  	[tilespmem:s17], [sflag:$0x1] =	stream.indirect.gather [hbm4b:s0+s14], $0x80, s14, s14, $0xb8;
	[tilespmem:$0x1ED00] =	vst v63  }
0x94: {  	s11 =	sadd.s32 s3, s20  }
0x95: {  	[tilespmem:s5], [sflag:$0x3] =	stream.linear.gather [hbm4b:s11+s5], $0x80, $0x38;
	[tilespmem:$0x1ED00] =	vst v63  }
0x96: {  	s10 =	sadd.s32 s6, s20  }
0x97: {  	[tilespmem:s13], [sflag:$0x3] =	stream.linear.gather [hbm4b:s10+s5], $0x80, $0x38;
	[tilespmem:$0x1ED00] =	vst v63  }
0x98: {  	_ =	swait.ge [sflag:s8], $0x4000  }
0x99: {  	[sflag:s8] =	ssyncset.done $0x0  }
0x9a: {  	[sflag:s8] =	ssyncadd.s32 $0xFFFFC000  }
0x9b: {  	[spmem:s4] =	stream.indirect.scatter.add.f32 [tilespmem:s29], [sflag:$0x5], $0x80, s24, s14, $0xb8;
	[tilespmem:$0x1ED00] =	vst v63  }
0x9c: {  	_ =	swait.ge [sflag:s31], $0x4000  }
0x9d: {  	[sflag:s31] =	ssyncset.done $0x0  }
0x9e: {  	[sflag:s31] =	ssyncadd.s32 $0xFFFFC000  }
0x9f: {  	_ =	swait.ge [sflag:s28], $0x80  }
0xa0: {  	[sflag:s28] =	ssyncset.done $0x0  }
0xa1: {  	[sflag:s28] =	ssyncadd.s32 $0xFFFFFF80  }
0xa2: {  	_ =	swait.ge [sflag:s28], $0x80  }
0xa3: {  	[sflag:s28] =	ssyncset.done $0x0  }
0xa4: {  	s11 =	rddreg [dreg:$0x6];
	[sflag:s28] =	ssyncadd.s32 $0xFFFFFF80  }
0xa5: {  	[tilespmem:s29], [sflag:$0x2] =	stream.indirect.gather [hbm4b:s0+s14], $0x80, s25, s14, $0xb8;
	[tilespmem:$0x1ED00] =	vst v63  }
0xa6: {  	s12 =	rddreg [dreg:$0x5];
	s10 =	sadd.s32 $0x0, s11  }
0xa7: {  	[tilespmem:s23], [sflag:$0x4] =	stream.linear.gather [hbm4b:s10+s5], $0x80, $0x38;
	[tilespmem:$0x1ED00] =	vst v63  }
0xa8: {  	s19 =	sadd.s32 $0x0, s12  }
0xa9: {  	[tilespmem:s24], [sflag:$0x4] =	stream.linear.gather [hbm4b:s19+s5], $0x80, $0x38;
	[tilespmem:$0x1ED00] =	vst v63  }
0xaa: {  	_ =	swait.ge [sflag:s1], $0x4000  }
0xab: {  	[sflag:s1] =	ssyncset.done $0x0  }
0xac: {  	[sflag:s1] =	ssyncadd.s32 $0xFFFFC000  }
0xad: {  	[spmem:s4] =	stream.indirect.scatter.add.f32 [tilespmem:s17], [sflag:$0x5], $0x80, s15, s14, $0xb8;
	[tilespmem:$0x1ED00] =	vst v63  }
0xae: {  	_ =	swait.ge [sflag:s31], $0x4000  }
0xaf: {  	[sflag:s31] =	ssyncset.done $0x0  }
0xb0: {  	[sflag:s31] =	ssyncadd.s32 $0xFFFFC000  }
0xb1: {  	_ =	swait.ge [sflag:s16], $0x80  }
0xb2: {  	[sflag:s16] =	ssyncset.done $0x0  }
0xb3: {  	[sflag:s16] =	ssyncadd.s32 $0xFFFFFF80  }
0xb4: {  	_ =	swait.ge [sflag:s16], $0x80  }
0xb5: {  	[sflag:s16] =	ssyncset.done $0x0  }
0xb6: {  	[sflag:s16] =	ssyncadd.s32 $0xFFFFFF80  }
0xb7: {  	[tilespmem:s17], [sflag:$0x1] =	stream.indirect.gather [hbm4b:s0+s14], $0x80, s5, s14, $0xb8;
	[tilespmem:$0x1ED00] =	vst v63  }
0xb8: {  	s12 =	sadd.s32 $0x0, s7;
	s20 =	rddreg [dreg:$0x9]  }
0xb9: {  	[tilespmem:s14], [sflag:$0x3] =	stream.linear.gather [hbm4b:s12+s5], $0x80, $0x38;
	[tilespmem:$0x1ED00] =	vst v63  }
0xba: {  	s10 =	sadd.s32 $0x0, s20  }
0xbb: {  	[tilespmem:s15], [sflag:$0x3] =	stream.linear.gather [hbm4b:s10+s5], $0x80, $0x38;
	[tilespmem:$0x1ED00] =	vst v63  }
0xbc: {  	_ =	swait.ge [sflag:s8], $0x4000  }
0xbd: {  	[sflag:s8] =	ssyncset.done $0x0  }
0xbe: {  	[sflag:s8] =	ssyncadd.s32 $0xFFFFC000  }
0xbf: {  	[spmem:s4] =	stream.indirect.scatter.add.f32 [tilespmem:s29], [sflag:$0x5], $0x80, s26, s14, $0xb8;
	[tilespmem:$0x1ED00] =	vst v63  }
0xc0: {  	_ =	swait.ge [sflag:s31], $0x4000  }
0xc1: {  	[sflag:s31] =	ssyncset.done $0x0  }
0xc2: {  	[sflag:s31] =	ssyncadd.s32 $0xFFFFC000  }
0xc3: {  	_ =	swait.ge [sflag:s28], $0x80  }
0xc4: {  	[sflag:s28] =	ssyncset.done $0x0  }
0xc5: {  	[sflag:s28] =	ssyncadd.s32 $0xFFFFFF80  }
0xc6: {  	_ =	swait.ge [sflag:s28], $0x80  }
0xc7: {  	[sflag:s28] =	ssyncset.done $0x0  }
0xc8: {  	s19 =	rddreg [dreg:$0x8];
	[sflag:s28] =	ssyncadd.s32 $0xFFFFFF80  }
0xc9: {  	[tilespmem:s29], [sflag:$0x2] =	stream.indirect.gather [hbm4b:s0+s14], $0x80, s23, s14, $0xb8;
	[tilespmem:$0x1ED00] =	vst v63  }
0xca: {  	s20 =	rddreg [dreg:$0x7];
	s10 =	sadd.s32 $0x0, s19  }
0xcb: {  	[tilespmem:s25], [sflag:$0x4] =	stream.linear.gather [hbm4b:s10+s5], $0x80, $0x38;
	[tilespmem:$0x1ED00] =	vst v63  }
0xcc: {  	s11 =	sadd.s32 $0x200, s2;
	s12 =	sadd.s32 $0x0, s20;
	s10 =	simm.s32 $0x40  }
.LBB2_4:
0xcd: {  	[tilespmem:s26], [sflag:$0x4] =	stream.linear.gather [hbm4b:s12+s5], $0x80, $0x38;
	[tilespmem:$0x1ED00] =	vst v63  }
0xce: {  	_ =	swait.ge [sflag:s1], $0x4000  }
0xcf: {  	[sflag:s1] =	ssyncset.done $0x0  }
0xd0: {  	[sflag:s1] =	ssyncadd.s32 $0xFFFFC000  }
0xd1: {  	[spmem:s4] =	stream.indirect.scatter.add.f32 [tilespmem:s17], [sflag:$0x5], $0x80, s13, s14, $0xb8;
	[tilespmem:$0x1ED00] =	vst v63  }
0xd2: {  	_ =	swait.ge [sflag:s31], $0x4000  }
0xd3: {  	[sflag:s31] =	ssyncset.done $0x0  }
0xd4: {  	[sflag:s31] =	ssyncadd.s32 $0xFFFFC000  }
0xd5: {  	_ =	swait.ge [sflag:s16], $0x80  }
0xd6: {  	[sflag:s16] =	ssyncset.done $0x0  }
0xd7: {  	[sflag:s16] =	ssyncadd.s32 $0xFFFFFF80  }
0xd8: {  	_ =	swait.ge [sflag:s16], $0x80  }
0xd9: {  	[sflag:s16] =	ssyncset.done $0x0  }
0xda: {  	s19 =	sshrl.u32 s11, $0x3;
	[sflag:s16] =	ssyncadd.s32 $0xFFFFFF80  }
0xdb: {  	[tilespmem:s17], [sflag:$0x1] =	stream.indirect.gather [hbm4b:s0+s14], $0x80, s14, s14, $0xb8;
	[tilespmem:$0x1ED00] =	vst v63  }
0xdc: {  	s20 =	sadd.s32 s3, s19  }
0xdd: {  	[tilespmem:s5], [sflag:$0x3] =	stream.linear.gather [hbm4b:s20+s5], $0x80, $0x38;
	[tilespmem:$0x1ED00] =	vst v63  }
0xde: {  	s19 =	sadd.s32 s6, s19  }
0xdf: {  	[tilespmem:s13], [sflag:$0x3] =	stream.linear.gather [hbm4b:s19+s5], $0x80, $0x38;
	[tilespmem:$0x1ED00] =	vst v63  }
0xe0: {  	_ =	swait.ge [sflag:s8], $0x4000  }
0xe1: {  	[sflag:s8] =	ssyncset.done $0x0  }
0xe2: {  	[sflag:s8] =	ssyncadd.s32 $0xFFFFC000  }
0xe3: {  	[spmem:s4] =	stream.indirect.scatter.add.f32 [tilespmem:s29], [sflag:$0x5], $0x80, s24, s14, $0xb8;
	[tilespmem:$0x1ED00] =	vst v63  }
0xe4: {  	_ =	swait.ge [sflag:s31], $0x4000  }
0xe5: {  	[sflag:s31] =	ssyncset.done $0x0  }
0xe6: {  	[sflag:s31] =	ssyncadd.s32 $0xFFFFC000  }
0xe7: {  	_ =	swait.ge [sflag:s28], $0x80  }
0xe8: {  	[sflag:s28] =	ssyncset.done $0x0  }
0xe9: {  	[sflag:s28] =	ssyncadd.s32 $0xFFFFFF80  }
0xea: {  	_ =	swait.ge [sflag:s28], $0x80  }
0xeb: {  	[sflag:s28] =	ssyncset.done $0x0  }
0xec: {  	s12 =	smov.u32 s10;
	s19 =	rddreg [dreg:$0x6];
	[sflag:s28] =	ssyncadd.s32 $0xFFFFFF80  }
0xed: {  	[tilespmem:s29], [sflag:$0x2] =	stream.indirect.gather [hbm4b:s0+s14], $0x80, s25, s14, $0xb8;
	[tilespmem:$0x1ED00] =	vst v63  }
0xee: {  	s20 =	rddreg [dreg:$0x5];
	s19 =	sadd.s32 s12, s19  }
0xef: {  	[tilespmem:s23], [sflag:$0x4] =	stream.linear.gather [hbm4b:s19+s5], $0x80, $0x38;
	[tilespmem:$0x1ED00] =	vst v63  }
0xf0: {  	s20 =	sadd.s32 s12, s20  }
0xf1: {  	[tilespmem:s24], [sflag:$0x4] =	stream.linear.gather [hbm4b:s20+s5], $0x80, $0x38;
	[tilespmem:$0x1ED00] =	vst v63  }
0xf2: {  	_ =	swait.ge [sflag:s1], $0x4000  }
0xf3: {  	[sflag:s1] =	ssyncset.done $0x0  }
0xf4: {  	[sflag:s1] =	ssyncadd.s32 $0xFFFFC000  }
0xf5: {  	[spmem:s4] =	stream.indirect.scatter.add.f32 [tilespmem:s17], [sflag:$0x5], $0x80, s15, s14, $0xb8;
	[tilespmem:$0x1ED00] =	vst v63  }
0xf6: {  	_ =	swait.ge [sflag:s31], $0x4000  }
0xf7: {  	[sflag:s31] =	ssyncset.done $0x0  }
0xf8: {  	[sflag:s31] =	ssyncadd.s32 $0xFFFFC000  }
0xf9: {  	_ =	swait.ge [sflag:s16], $0x80  }
0xfa: {  	[sflag:s16] =	ssyncset.done $0x0  }
0xfb: {  	[sflag:s16] =	ssyncadd.s32 $0xFFFFFF80  }
0xfc: {  	_ =	swait.ge [sflag:s16], $0x80  }
0xfd: {  	[sflag:s16] =	ssyncset.done $0x0  }
0xfe: {  	[sflag:s16] =	ssyncadd.s32 $0xFFFFFF80  }
0xff: {  	[tilespmem:s17], [sflag:$0x1] =	stream.indirect.gather [hbm4b:s0+s14], $0x80, s5, s14, $0xb8;
	[tilespmem:$0x1ED00] =	vst v63  }
0x100: {  	s20 =	sadd.s32 s12, s7;
	s19 =	rddreg [dreg:$0x9]  }
0x101: {  	[tilespmem:s14], [sflag:$0x3] =	stream.linear.gather [hbm4b:s20+s5], $0x80, $0x38;
	[tilespmem:$0x1ED00] =	vst v63  }
0x102: {  	s19 =	sadd.s32 s12, s19  }
0x103: {  	[tilespmem:s15], [sflag:$0x3] =	stream.linear.gather [hbm4b:s19+s5], $0x80, $0x38;
	[tilespmem:$0x1ED00] =	vst v63  }
0x104: {  	_ =	swait.ge [sflag:s8], $0x4000  }
0x105: {  	[sflag:s8] =	ssyncset.done $0x0  }
0x106: {  	[sflag:s8] =	ssyncadd.s32 $0xFFFFC000  }
0x107: {  	[spmem:s4] =	stream.indirect.scatter.add.f32 [tilespmem:s29], [sflag:$0x5], $0x80, s26, s14, $0xb8;
	[tilespmem:$0x1ED00] =	vst v63  }
0x108: {  	_ =	swait.ge [sflag:s31], $0x4000  }
0x109: {  	[sflag:s31] =	ssyncset.done $0x0  }
0x10a: {  	[sflag:s31] =	ssyncadd.s32 $0xFFFFC000  }
0x10b: {  	_ =	swait.ge [sflag:s28], $0x80  }
0x10c: {  	[sflag:s28] =	ssyncset.done $0x0  }
0x10d: {  	[sflag:s28] =	ssyncadd.s32 $0xFFFFFF80  }
0x10e: {  	p0 =	sne.s32 s10, $0x440;
	_ =	swait.ge [sflag:s28], $0x80  }
.Ltmp1:
0x10f: {  	[sflag:s28] =	ssyncset.done $0x0;
	s19 =	rddreg [dreg:$0x8];
	(pc) =	sbr.rel @p0 .LBB2_4-.Ltmp1, $4  }
0x110: {  	s10 =	sadd.s32 $0x40, s10;
	s20 =	rddreg [dreg:$0x7];
	[sflag:s28] =	ssyncadd.s32 $0xFFFFFF80  }
0x111: {  	[tilespmem:s29], [sflag:$0x2] =	stream.indirect.gather [hbm4b:s0+s14], $0x80, s23, s14, $0xb8;
	[tilespmem:$0x1ED00] =	vst v63  }
0x112: {  	s11 =	sadd.s32 $0x200, s11;
	s19 =	sadd.s32 s12, s19;
	s12 =	sadd.s32 s12, s20  }
0x113: {  	[tilespmem:s25], [sflag:$0x4] =	stream.linear.gather [hbm4b:s19+s5], $0x80, $0x38;
	[tilespmem:$0x1ED00] =	vst v63  }
0x114: {  	[tilespmem:s26], [sflag:$0x4] =	stream.linear.gather [hbm4b:s12+s5], $0x80, $0x38;
	[tilespmem:$0x1ED00] =	vst v63  }
0x115: {  	_ =	swait.ge [sflag:s1], $0x4000  }
0x116: {  	[sflag:s1] =	ssyncset.done $0x0  }
0x117: {  	[sflag:s1] =	ssyncadd.s32 $0xFFFFC000  }
0x118: {  	[spmem:s4] =	stream.indirect.scatter.add.f32 [tilespmem:s17], [sflag:$0x5], $0x80, s13, s14, $0xb8;
	[tilespmem:$0x1ED00] =	vst v63  }
0x119: {  	_ =	swait.ge [sflag:s31], $0x4000  }
0x11a: {  	[sflag:s31] =	ssyncset.done $0x0  }
0x11b: {  	[sflag:s31] =	ssyncadd.s32 $0xFFFFC000  }
0x11c: {  	_ =	swait.ge [sflag:s16], $0x80  }
0x11d: {  	[sflag:s16] =	ssyncset.done $0x0  }
0x11e: {  	[sflag:s16] =	ssyncadd.s32 $0xFFFFFF80  }
0x11f: {  	_ =	swait.ge [sflag:s16], $0x80  }
0x120: {  	[sflag:s16] =	ssyncset.done $0x0  }
0x121: {  	[sflag:s16] =	ssyncadd.s32 $0xFFFFFF80  }
0x122: {  	[tilespmem:s17], [sflag:$0x1] =	stream.indirect.gather [hbm4b:s0+s14], $0x80, s14, s14, $0xb8;
	[tilespmem:$0x1ED00] =	vst v63  }
0x123: {  	s10 =	rddreg [dreg:$0x17]  }
0x124: {  	[tilespmem:s5], [sflag:$0x3] =	stream.linear.gather [hbm4b:s10+s5], $0x80, $0x38;
	[tilespmem:$0x1ED00] =	vst v63  }
0x125: {  	s19 =	rddreg [dreg:$0x18]  }
0x126: {  	[tilespmem:s13], [sflag:$0x3] =	stream.linear.gather [hbm4b:s19+s5], $0x80, $0x38;
	[tilespmem:$0x1ED00] =	vst v63  }
0x127: {  	_ =	swait.ge [sflag:s8], $0x4000  }
0x128: {  	[sflag:s8] =	ssyncset.done $0x0  }
0x129: {  	[sflag:s8] =	ssyncadd.s32 $0xFFFFC000  }
0x12a: {  	[spmem:s4] =	stream.indirect.scatter.add.f32 [tilespmem:s29], [sflag:$0x5], $0x80, s24, s14, $0xb8;
	[tilespmem:$0x1ED00] =	vst v63  }
0x12b: {  	_ =	swait.ge [sflag:s31], $0x4000  }
0x12c: {  	[sflag:s31] =	ssyncset.done $0x0  }
0x12d: {  	[sflag:s31] =	ssyncadd.s32 $0xFFFFC000  }
0x12e: {  	_ =	swait.ge [sflag:s28], $0x80  }
0x12f: {  	[sflag:s28] =	ssyncset.done $0x0  }
0x130: {  	[sflag:s28] =	ssyncadd.s32 $0xFFFFFF80  }
0x131: {  	_ =	swait.ge [sflag:s28], $0x80  }
0x132: {  	[sflag:s28] =	ssyncset.done $0x0  }
0x133: {  	[sflag:s28] =	ssyncadd.s32 $0xFFFFFF80  }
0x134: {  	[tilespmem:s29], [sflag:$0x2] =	stream.indirect.gather [hbm4b:s0+s14], $0x80, s25, s14, $0xb8;
	[tilespmem:$0x1ED00] =	vst v63  }
0x135: {  	s20 =	rddreg [dreg:$0x19]  }
0x136: {  	[tilespmem:s23], [sflag:$0x4] =	stream.linear.gather [hbm4b:s20+s5], $0x80, $0x38;
	[tilespmem:$0x1ED00] =	vst v63  }
0x137: {  	s11 =	rddreg [dreg:$0x1a]  }
0x138: {  	[tilespmem:s24], [sflag:$0x4] =	stream.linear.gather [hbm4b:s11+s5], $0x80, $0x38;
	[tilespmem:$0x1ED00] =	vst v63  }
0x139: {  	_ =	swait.ge [sflag:s1], $0x4000  }
0x13a: {  	[sflag:s1] =	ssyncset.done $0x0  }
0x13b: {  	[sflag:s1] =	ssyncadd.s32 $0xFFFFC000  }
0x13c: {  	[spmem:s4] =	stream.indirect.scatter.add.f32 [tilespmem:s17], [sflag:$0x5], $0x80, s15, s14, $0xb8;
	[tilespmem:$0x1ED00] =	vst v63  }
0x13d: {  	_ =	swait.ge [sflag:s31], $0x4000  }
0x13e: {  	[sflag:s31] =	ssyncset.done $0x0  }
0x13f: {  	[sflag:s31] =	ssyncadd.s32 $0xFFFFC000  }
0x140: {  	_ =	swait.ge [sflag:s16], $0x80  }
0x141: {  	[sflag:s16] =	ssyncset.done $0x0  }
0x142: {  	[sflag:s16] =	ssyncadd.s32 $0xFFFFFF80  }
0x143: {  	_ =	swait.ge [sflag:s16], $0x80  }
0x144: {  	[sflag:s16] =	ssyncset.done $0x0  }
0x145: {  	[sflag:s16] =	ssyncadd.s32 $0xFFFFFF80  }
0x146: {  	[tilespmem:s17], [sflag:$0x1] =	stream.indirect.gather [hbm4b:s0+s14], $0x80, s5, s14, $0xb8;
	[tilespmem:$0x1ED00] =	vst v63  }
0x147: {  	_ =	swait.ge [sflag:s1], $0x4000  }
0x148: {  	[sflag:s1] =	ssyncset.done $0x0  }
0x149: {  	[sflag:s1] =	ssyncadd.s32 $0xFFFFC000  }
0x14a: {  	[spmem:s4] =	stream.indirect.scatter.add.f32 [tilespmem:s17], [sflag:$0x5], $0x80, s13, s14, $0xb8;
	[tilespmem:$0x1ED00] =	vst v63  }
0x14b: {  	_ =	swait.ge [sflag:s31], $0x4000  }
0x14c: {  	[sflag:s31] =	ssyncset.done $0x0  }
0x14d: {  	[sflag:s31] =	ssyncadd.s32 $0xFFFFC000  }
0x14e: {  	_ =	swait.ge [sflag:s8], $0x4000  }
0x14f: {  	[sflag:s8] =	ssyncset.done $0x0  }
0x150: {  	[sflag:s8] =	ssyncadd.s32 $0xFFFFC000  }
0x151: {  	[spmem:s4] =	stream.indirect.scatter.add.f32 [tilespmem:s29], [sflag:$0x5], $0x80, s26, s14, $0xb8;
	[tilespmem:$0x1ED00] =	vst v63  }
0x152: {  	_ =	swait.ge [sflag:s31], $0x4000  }
0x153: {  	[sflag:s31] =	ssyncset.done $0x0  }
0x154: {  	[sflag:s31] =	ssyncadd.s32 $0xFFFFC000  }
0x155: {  	_ =	swait.ge [sflag:s28], $0x80  }
0x156: {  	[sflag:s28] =	ssyncset.done $0x0  }
0x157: {  	[sflag:s28] =	ssyncadd.s32 $0xFFFFFF80  }
0x158: {  	_ =	swait.ge [sflag:s28], $0x80  }
0x159: {  	[sflag:s28] =	ssyncset.done $0x0  }
0x15a: {  	[sflag:s28] =	ssyncadd.s32 $0xFFFFFF80  }
0x15b: {  	[tilespmem:s29], [sflag:$0x2] =	stream.indirect.gather [hbm4b:s0+s14], $0x80, s23, s14, $0xb8;
	[tilespmem:$0x1ED00] =	vst v63  }
0x15c: {  	_ =	swait.ge [sflag:s8], $0x4000  }
0x15d: {  	[sflag:s8] =	ssyncset.done $0x0  }
0x15e: {  	[sflag:s8] =	ssyncadd.s32 $0xFFFFC000  }
0x15f: {  	[spmem:s4] =	stream.indirect.scatter.add.f32 [tilespmem:s29], [sflag:$0x5], $0x80, s24, s14, $0xb8;
	[tilespmem:$0x1ED00] =	vst v63  }
0x160: {  	_ =	swait.ge [sflag:s31], $0x4000  }
0x161: {  	[sflag:s31] =	ssyncset.done $0x0  }
0x162: {  	s11 =	simm.s32 $0x400;
	s12 =	rddreg [dreg:$0x1d];
	[sflag:s31] =	ssyncadd.s32 $0xFFFFC000  }
0x163: {  	[tilespmem:s11], [sflag:$0x5] =	stream.linear.gather [hbm4b:s12+s5], $0x10, $0x38;
	[tilespmem:$0x1ED00] =	vst v63  }
0x164: {  	_ =	swait.ge [sflag:s31], $0x10  }
0x165: {  	[sflag:s31] =	ssyncset.done $0x0  }
0x166: {  	s12 =	simm.s32 $0x480;
	s19 =	rddreg [dreg:$0x1e];
	[sflag:s31] =	ssyncadd.s32 $0xFFFFFFF0  }
0x167: {  	[tilespmem:s12], [sflag:$0x5] =	stream.linear.gather [hbm4b:s19+s5], $0x10, $0x38;
	[tilespmem:$0x1ED00] =	vst v63  }
0x168: {  	_ =	swait.ge [sflag:s31], $0x10  }
0x169: {  	[sflag:s31] =	ssyncset.done $0x0  }
0x16a: {  	s20 =	simm.s32 $0x10;
	s19 =	simm.s32 $0x8500;
	[sflag:s31] =	ssyncadd.s32 $0xFFFFFFF0  }
0x16b: {  	[tilespmem:s19], [sflag:$0x1] =	stream.indirect.gather [hbm4b:s0+s20], $0x80, s11, s20, $0xb8;
	[tilespmem:$0x1ED00] =	vst v63  }
0x16c: {  	_ =	swait.ge [sflag:s1], $0x800  }
0x16d: {  	[sflag:s1] =	ssyncset.done $0x0  }
0x16e: {  	[sflag:s1] =	ssyncadd.s32 $0xFFFFF800  }
0x16f: {  	[spmem:s4] =	stream.indirect.scatter.add.f32 [tilespmem:s19], [sflag:$0x5], $0x80, s12, s20, $0xb8;
	[tilespmem:$0x1ED00] =	vst v63  }
0x170: {  	_ =	swait.ge [sflag:s31], $0x800  }
0x171: {  	[sflag:s31] =	ssyncset.done $0x0  }
0x172: {  	s12 =	stileid.u32;
	[sflag:s31] =	ssyncadd.s32 $0xFFFFF800  }
0x173: {  	s10 =	sshll.u32 s12, $0x6;
	[bflag:$0x0] =	sbarrier.arrive $0xFFFF  }
0x174: {  	s19 =	sshrl.u32 s18, $0x3;
	s10 =	sor.u32 $0x1C01, s10;
	s20 =	rddreg [dreg:$0xd]  }
0x175: {  	[hbm:s20], [sflag:s10] =	dma.local [spmem:s19], $0x800  }
0x176: {  	s20 =	smov.u32 s21;
	s21 =	sshrl.u32 s21, $0x3;
	s12 =	rddreg [dreg:$0xe]  }
0x177: {  	[hbm:s12], [sflag:s10] =	dma.local [spmem:s21], $0x800  }
0x178: {  	s11 =	rddreg [dreg:$0x15]  }
0x179: {  	s12 =	rddreg [dreg:$0xf];
	s11 =	sshrl.u32 s11, $0x3  }
0x17a: {  	[hbm:s12], [sflag:s10] =	dma.local [spmem:s11], $0x800  }
0x17b: {  	s11 =	rddreg [dreg:$0x16]  }
0x17c: {  	s12 =	rddreg [dreg:$0x10];
	s11 =	sshrl.u32 s11, $0x3  }
0x17d: {  	[hbm:s12], [sflag:s10] =	dma.local [spmem:s11], $0x800  }
0x17e: {  	s19 =	sshrl.u32 s22, $0x3;
	s12 =	rddreg [dreg:$0x11]  }
0x17f: {  	[hbm:s12], [sflag:s10] =	dma.local [spmem:s19], $0x800  }
0x180: {  	_ =	swait.ge [sflag:s1], $0x800  }
0x181: {  	[sflag:s1] =	ssyncset.done $0x0  }
0x182: {  	[sflag:s1] =	ssyncadd.s32 $0xFFFFF800  }
0x183: {  	_ =	swait.ge [sflag:s1], $0x800  }
0x184: {  	[sflag:s1] =	ssyncset.done $0x0  }
0x185: {  	[sflag:s1] =	ssyncadd.s32 $0xFFFFF800  }
0x186: {  	_ =	swait.ge [sflag:s1], $0x800  }
0x187: {  	[sflag:s1] =	ssyncset.done $0x0  }
0x188: {  	[sflag:s1] =	ssyncadd.s32 $0xFFFFF800  }
0x189: {  	_ =	swait.ge [sflag:s1], $0x800  }
0x18a: {  	[sflag:s1] =	ssyncset.done $0x0  }
0x18b: {  	[sflag:s1] =	ssyncadd.s32 $0xFFFFF800  }
0x18c: {  	_ =	swait.ge [sflag:s1], $0x800  }
0x18d: {  	s9 =	sadd.s32 $0x1, s9;
	s21 =	rddreg [dreg:$0x1f]  }
0x18e: {  	p0 =	sne.s32 s9, s21  }
.Ltmp2:
0x18f: {  	_ = 	snop;
	(pc) =	sbr.rel @p0 .LBB2_1-.Ltmp2, $3  }
0x190: {  	_ =	sdelay $0x1  }
0x191: {  	[sflag:s1] =	ssyncset.done $0x0  }
0x192: {  	[sflag:s1] =	ssyncadd.s32 $0xFFFFF800  }
0x193: {  	_ =	sfence.sel $0x180000  }
0x194: {  	[bflag:$0x0] =	sbarrier.arrive $0xFFFF  }
0x195: {  	_ =	strace $0x90000047  }
0x196: {  	s0 =	stileid.u32;
	[bflag:$0x2] =	sbarrier.arrive $0xFFFF  }
0x197: {  	p0 =	sne.s32 s0, $0x0;
	s0 =	rddreg [dreg:$0x4]  }
0x198: {  	s0 =	sadd.s32 @!p0 $0x100000, s0  }
0x199: {  	[sflag:s0] =	ssyncadd.tile.s32 @!p0 $0x1;
	_ =	shalt  }
.Lfunc_end2:
_tile_overlayer_lowered:
.L_overlay_start_2:
0x19a: {  	(tag) =	ssettag $0x2  }
0x19b: {  	s0 =	rddreg [dreg:$0x0];
	s2 =	stileid.u32  }
0x19c: {  	s1 =	rddreg [dreg:$0x1];
	p0 =	sne.s32 s2, $0x0  }
0x19d: {  	s3 =	rddreg [dreg:$0x2];
	[bflag:$0x3] =	sbarrier.arrive $0xFFFF;
	s2 =	simm.s32 @!p0 $0x1C05  }
0x19e: {  	[timem:s3], [sflag:s2] =	dma.local @!p0 [hbm:s0], s1  }
0x19f: {  	s0 =	simm.s32 @!p0 $0x5  }
0x1a0: {  	_ =	swait.ge @!p0 [sflag:s0], s1  }
0x1a1: {  	s1 =	ssub.s32 @!p0 $0x0, s1;
	[sflag:s0] =	ssyncset.done @!p0 $0x0  }
0x1a2: {  	[sflag:s0] =	ssyncadd.s32 @!p0 s1  }
0x1a3: {  	[bflag:$0x3] =	sbarrier.arrive $0xFFFF  }
0x1a4: {  	_ =	shalt  }

</sc_bundles>
